<compile_context>
chip_gen: v7x
topology: tpu7x:2x2x1
jax: 0.10.2.dev20260603
libtpu: 0.0.44.dev20260713+nightly
codegen_flags: <defaults>
</compile_context>

<pallas_src>
import functools

import jax
import jax.numpy as jnp
from jax import lax
from jax.experimental import pallas as pl
from jax.experimental.pallas import tpu as pltpu
from jax.experimental.pallas import tpu_sc as plsc

HIDDEN = 64
NC, NS = 2, 16
NW = NC * NS
K = 8


@functools.partial(jax.jit, static_argnums=(2, 3))
def _embed_one(idx_t, table, b_dim, l_dim):
    b_per_w = b_dim // NW
    nb = l_dim // K

    mesh = plsc.VectorSubcoreMesh(core_axis_name="c", subcore_axis_name="s")

    @functools.partial(
        pl.kernel,
        mesh=mesh,
        out_type=jax.ShapeDtypeStruct((l_dim, b_dim, HIDDEN), jnp.float32),
        scratch_types=[
            [pltpu.VMEM((b_per_w,), jnp.int32) for _ in range(K)],
            [pltpu.VMEM((b_per_w, HIDDEN), jnp.float32) for _ in range(K)],
            pltpu.SemaphoreType.DMA,
            pltpu.SemaphoreType.DMA,
            pltpu.SemaphoreType.DMA,
        ],
        compiler_params=pltpu.CompilerParams(use_tc_tiling_on_sc=False),
    )
    def emb(idx_hbm, tab_hbm, out_hbm, idx_slots, row_slots,
            isem, gsem, osem):
        wid = lax.axis_index("s") * NC + lax.axis_index("c")
        b0 = pl.multiple_of(wid * b_per_w, b_per_w)


        def fire_idx(t, j):
            pltpu.async_copy(
                idx_hbm.at[t, pl.ds(b0, b_per_w)], idx_slots[j], isem)

        def wait_idx(t, j):
            pltpu.make_async_copy(
                idx_hbm.at[t, pl.ds(b0, b_per_w)], idx_slots[j], isem).wait()

        def fire_gather(t, j):
            pltpu.async_copy(tab_hbm.at[idx_slots[j]], row_slots[j], gsem)

        def wait_gather(t, j):
            pltpu.make_async_copy(
                tab_hbm.at[idx_slots[j]], row_slots[j], gsem).wait()

        def fire_out(t, j):
            pltpu.async_copy(
                row_slots[j], out_hbm.at[t, pl.ds(b0, b_per_w)], osem)

        def wait_out(t, j):
            pltpu.make_async_copy(
                row_slots[j], out_hbm.at[t, pl.ds(b0, b_per_w)], osem).wait()

        for j in range(K):
            fire_idx(j, j)
        for j in range(K):
            wait_idx(j, j)
            fire_gather(j, j)

        def batch(g, carry):
            o0 = g * K
            for j in range(K):
                wait_gather(o0 + j, j)
                fire_out(o0 + j, j)
            for j in range(K):
                wait_out(o0 + j, j)
                fire_idx(o0 + K + j, j)
            for j in range(K):
                wait_idx(o0 + K + j, j)
                fire_gather(o0 + K + j, j)
            return carry

        if nb > 1:
            lax.fori_loop(0, nb - 1, batch, 0)
        o0 = (nb - 1) * K
        for j in range(K):
            wait_gather(o0 + j, j)
            fire_out(o0 + j, j)
        for j in range(K):
            wait_out(o0 + j, j)

    return emb(idx_t, table)


def kernel(speaker_id, phone, train, speaker_id_table, phone_table):
    del train
    b_dim, l_dim = speaker_id.shape
    out_s = _embed_one(speaker_id.T, speaker_id_table, b_dim, l_dim)
    out_p = _embed_one(phone.T, phone_table, b_dim, l_dim)
    return (out_s.transpose(1, 0, 2), out_p.transpose(1, 0, 2))

# --- scband reference (transcript-rebuilt; emitter-appended) ---
"""Pipeline reference for scband-label-embedder-83829171683922 (READ-ONLY COPY).

The authoritative reference and input builder live on the scoring server;
editing this copy changes nothing except your own understanding.
"""

import jax, jax.numpy as jnp
import numpy as np

NUM_CLASSES = 100000
HIDDEN = 64
B, L = 4096, 200

def setup_inputs(seed: int = 0) -> dict:
    key = jax.random.key(seed)
    k1, k2, k3, k4 = jax.random.split(key, 4)
    speaker_id = jax.random.randint(k1, (B, L), 0, NUM_CLASSES, dtype=jnp.int32)
    phone = jax.random.randint(k2, (B, L), 0, NUM_CLASSES, dtype=jnp.int32)
    speaker_id_table = jax.random.normal(k3, (NUM_CLASSES, HIDDEN), dtype=jnp.float32) * 0.02
    phone_table = jax.random.normal(k4, (NUM_CLASSES, HIDDEN), dtype=jnp.float32) * 0.02
    return {
        'speaker_id': speaker_id,
        'phone': phone,
        'train': 0,
        'speaker_id_table': speaker_id_table,
        'phone_table': phone_table,
    }

def reference(speaker_id, phone, train, speaker_id_table, phone_table):
    # train is falsy (inference path): token_drop / CFG dropout is bypassed,
    # matching `if train and use_dropout or force_drop_ids is not None` == False.
    speaker_id_embeddings = jnp.take(speaker_id_table, speaker_id, axis=0)
    phone_embeddings = jnp.take(phone_table, phone, axis=0)
    return (speaker_id_embeddings, phone_embeddings)

if __name__ == "__main__":
    import jax
    _d = setup_inputs()
    print(jax.jit(kernel)(*tuple(_d.values())))

</pallas_src>

<mosaic_0001>
#map = affine_map<(d0, d1) -> (0, 0)>
#map1 = affine_map<(d0, d1) -> (0, 0, 0)>
module attributes {stable_mosaic.version = 14 : i64} {
  func.func @emb(%arg0: i32, %arg1: i32, %arg2: memref<200x4096xi32, #tpu.memory_space<hbm>>, %arg3: memref<100000x64xf32, #tpu.memory_space<hbm>>, %arg4: memref<200x4096x64xf32, #tpu.memory_space<hbm>>, %arg5: memref<128xi32, #tpu.memory_space<vmem>>, %arg6: memref<128xi32, #tpu.memory_space<vmem>>, %arg7: memref<128xi32, #tpu.memory_space<vmem>>, %arg8: memref<128xi32, #tpu.memory_space<vmem>>, %arg9: memref<128xi32, #tpu.memory_space<vmem>>, %arg10: memref<128xi32, #tpu.memory_space<vmem>>, %arg11: memref<128xi32, #tpu.memory_space<vmem>>, %arg12: memref<128xi32, #tpu.memory_space<vmem>>, %arg13: memref<128x64xf32, #tpu.memory_space<vmem>>, %arg14: memref<128x64xf32, #tpu.memory_space<vmem>>, %arg15: memref<128x64xf32, #tpu.memory_space<vmem>>, %arg16: memref<128x64xf32, #tpu.memory_space<vmem>>, %arg17: memref<128x64xf32, #tpu.memory_space<vmem>>, %arg18: memref<128x64xf32, #tpu.memory_space<vmem>>, %arg19: memref<128x64xf32, #tpu.memory_space<vmem>>, %arg20: memref<128x64xf32, #tpu.memory_space<vmem>>, %arg21: memref<!tpu.dma_semaphore, #tpu.memory_space<semaphore_mem>>, %arg22: memref<!tpu.dma_semaphore, #tpu.memory_space<semaphore_mem>>, %arg23: memref<!tpu.dma_semaphore, #tpu.memory_space<semaphore_mem>>) attributes {dimension_semantics = [#tpu.dimension_semantics<core_parallel>, #tpu.dimension_semantics<subcore_parallel>], iteration_bounds = array<i64: 2, 16>, scalar_prefetch = 0 : i64, scratch_operands = 19 : i64, tpu.core_type = #tpu.core_type<sc_vector_subcore>, window_params = [{transform_indices = #map}, {transform_indices = #map}, {transform_indices = #map1}]} {
    %mul3A = arith.constant 2 : i32
    %mul3A_0 = arith.muli %arg1, %mul3A : i32
    %add3A = arith.addi %mul3A_0, %arg0 : i32
    %mul3A_1 = arith.constant 128 : i32
    %mul3A_2 = arith.muli %add3A, %mul3A_1 : i32
    %multiple_of3A = tpu.assume_multiple %mul3A_2, 128 : i32
    %dma_start3A = arith.constant 0 : i32
    %dma_start3A_3 = tpu.memref_slice %arg2[%dma_start3A, %multiple_of3A] : memref<200x4096xi32, #tpu.memory_space<hbm>> -> memref<1x128xi32, #tpu.memory_space<hbm>>
    %dma_start3A_4 = tpu.memref_squeeze %dma_start3A_3 : memref<1x128xi32, #tpu.memory_space<hbm>> -> memref<128xi32, #tpu.memory_space<hbm>>
    %dma_start3A_5 = tpu.memref_slice %arg2[%dma_start3A, %multiple_of3A] : memref<200x4096xi32, #tpu.memory_space<hbm>> -> memref<1x128xi32, #tpu.memory_space<hbm>>
    %dma_start3A_6 = tpu.memref_squeeze %dma_start3A_5 : memref<1x128xi32, #tpu.memory_space<hbm>> -> memref<128xi32, #tpu.memory_space<hbm>>
    tpu.enqueue_dma source(%dma_start3A_6 : memref<128xi32, #tpu.memory_space<hbm>>) target(%arg5 : memref<128xi32, #tpu.memory_space<vmem>>) target_semaphore(%arg21 : memref<!tpu.dma_semaphore, #tpu.memory_space<semaphore_mem>>)
    %dma_start3A_7 = arith.constant 1 : i32
    %dma_start3A_8 = tpu.memref_slice %arg2[%dma_start3A_7, %multiple_of3A] : memref<200x4096xi32, #tpu.memory_space<hbm>> -> memref<1x128xi32, #tpu.memory_space<hbm>>
    %dma_start3A_9 = tpu.memref_squeeze %dma_start3A_8 : memref<1x128xi32, #tpu.memory_space<hbm>> -> memref<128xi32, #tpu.memory_space<hbm>>
    %dma_start3A_10 = tpu.memref_slice %arg2[%dma_start3A_7, %multiple_of3A] : memref<200x4096xi32, #tpu.memory_space<hbm>> -> memref<1x128xi32, #tpu.memory_space<hbm>>
    %dma_start3A_11 = tpu.memref_squeeze %dma_start3A_10 : memref<1x128xi32, #tpu.memory_space<hbm>> -> memref<128xi32, #tpu.memory_space<hbm>>
    tpu.enqueue_dma source(%dma_start3A_11 : memref<128xi32, #tpu.memory_space<hbm>>) target(%arg6 : memref<128xi32, #tpu.memory_space<vmem>>) target_semaphore(%arg21 : memref<!tpu.dma_semaphore, #tpu.memory_space<semaphore_mem>>)
    %dma_start3A_12 = arith.constant 2 : i32
    %dma_start3A_13 = tpu.memref_slice %arg2[%dma_start3A_12, %multiple_of3A] : memref<200x4096xi32, #tpu.memory_space<hbm>> -> memref<1x128xi32, #tpu.memory_space<hbm>>
    %dma_start3A_14 = tpu.memref_squeeze %dma_start3A_13 : memref<1x128xi32, #tpu.memory_space<hbm>> -> memref<128xi32, #tpu.memory_space<hbm>>
    %dma_start3A_15 = tpu.memref_slice %arg2[%dma_start3A_12, %multiple_of3A] : memref<200x4096xi32, #tpu.memory_space<hbm>> -> memref<1x128xi32, #tpu.memory_space<hbm>>
    %dma_start3A_16 = tpu.memref_squeeze %dma_start3A_15 : memref<1x128xi32, #tpu.memory_space<hbm>> -> memref<128xi32, #tpu.memory_space<hbm>>
    tpu.enqueue_dma source(%dma_start3A_16 : memref<128xi32, #tpu.memory_space<hbm>>) target(%arg7 : memref<128xi32, #tpu.memory_space<vmem>>) target_semaphore(%arg21 : memref<!tpu.dma_semaphore, #tpu.memory_space<semaphore_mem>>)
    %dma_start3A_17 = arith.constant 3 : i32
    %dma_start3A_18 = tpu.memref_slice %arg2[%dma_start3A_17, %multiple_of3A] : memref<200x4096xi32, #tpu.memory_space<hbm>> -> memref<1x128xi32, #tpu.memory_space<hbm>>
    %dma_start3A_19 = tpu.memref_squeeze %dma_start3A_18 : memref<1x128xi32, #tpu.memory_space<hbm>> -> memref<128xi32, #tpu.memory_space<hbm>>
    %dma_start3A_20 = tpu.memref_slice %arg2[%dma_start3A_17, %multiple_of3A] : memref<200x4096xi32, #tpu.memory_space<hbm>> -> memref<1x128xi32, #tpu.memory_space<hbm>>
    %dma_start3A_21 = tpu.memref_squeeze %dma_start3A_20 : memref<1x128xi32, #tpu.memory_space<hbm>> -> memref<128xi32, #tpu.memory_space<hbm>>
    tpu.enqueue_dma source(%dma_start3A_21 : memref<128xi32, #tpu.memory_space<hbm>>) target(%arg8 : memref<128xi32, #tpu.memory_space<vmem>>) target_semaphore(%arg21 : memref<!tpu.dma_semaphore, #tpu.memory_space<semaphore_mem>>)
    %dma_start3A_22 = arith.constant 4 : i32
    %dma_start3A_23 = tpu.memref_slice %arg2[%dma_start3A_22, %multiple_of3A] : memref<200x4096xi32, #tpu.memory_space<hbm>> -> memref<1x128xi32, #tpu.memory_space<hbm>>
    %dma_start3A_24 = tpu.memref_squeeze %dma_start3A_23 : memref<1x128xi32, #tpu.memory_space<hbm>> -> memref<128xi32, #tpu.memory_space<hbm>>
    %dma_start3A_25 = tpu.memref_slice %arg2[%dma_start3A_22, %multiple_of3A] : memref<200x4096xi32, #tpu.memory_space<hbm>> -> memref<1x128xi32, #tpu.memory_space<hbm>>
    %dma_start3A_26 = tpu.memref_squeeze %dma_start3A_25 : memref<1x128xi32, #tpu.memory_space<hbm>> -> memref<128xi32, #tpu.memory_space<hbm>>
    tpu.enqueue_dma source(%dma_start3A_26 : memref<128xi32, #tpu.memory_space<hbm>>) target(%arg9 : memref<128xi32, #tpu.memory_space<vmem>>) target_semaphore(%arg21 : memref<!tpu.dma_semaphore, #tpu.memory_space<semaphore_mem>>)
    %dma_start3A_27 = arith.constant 5 : i32
    %dma_start3A_28 = tpu.memref_slice %arg2[%dma_start3A_27, %multiple_of3A] : memref<200x4096xi32, #tpu.memory_space<hbm>> -> memref<1x128xi32, #tpu.memory_space<hbm>>
    %dma_start3A_29 = tpu.memref_squeeze %dma_start3A_28 : memref<1x128xi32, #tpu.memory_space<hbm>> -> memref<128xi32, #tpu.memory_space<hbm>>
    %dma_start3A_30 = tpu.memref_slice %arg2[%dma_start3A_27, %multiple_of3A] : memref<200x4096xi32, #tpu.memory_space<hbm>> -> memref<1x128xi32, #tpu.memory_space<hbm>>
    %dma_start3A_31 = tpu.memref_squeeze %dma_start3A_30 : memref<1x128xi32, #tpu.memory_space<hbm>> -> memref<128xi32, #tpu.memory_space<hbm>>
    tpu.enqueue_dma source(%dma_start3A_31 : memref<128xi32, #tpu.memory_space<hbm>>) target(%arg10 : memref<128xi32, #tpu.memory_space<vmem>>) target_semaphore(%arg21 : memref<!tpu.dma_semaphore, #tpu.memory_space<semaphore_mem>>)
    %dma_start3A_32 = arith.constant 6 : i32
    %dma_start3A_33 = tpu.memref_slice %arg2[%dma_start3A_32, %multiple_of3A] : memref<200x4096xi32, #tpu.memory_space<hbm>> -> memref<1x128xi32, #tpu.memory_space<hbm>>
    %dma_start3A_34 = tpu.memref_squeeze %dma_start3A_33 : memref<1x128xi32, #tpu.memory_space<hbm>> -> memref<128xi32, #tpu.memory_space<hbm>>
    %dma_start3A_35 = tpu.memref_slice %arg2[%dma_start3A_32, %multiple_of3A] : memref<200x4096xi32, #tpu.memory_space<hbm>> -> memref<1x128xi32, #tpu.memory_space<hbm>>
    %dma_start3A_36 = tpu.memref_squeeze %dma_start3A_35 : memref<1x128xi32, #tpu.memory_space<hbm>> -> memref<128xi32, #tpu.memory_space<hbm>>
    tpu.enqueue_dma source(%dma_start3A_36 : memref<128xi32, #tpu.memory_space<hbm>>) target(%arg11 : memref<128xi32, #tpu.memory_space<vmem>>) target_semaphore(%arg21 : memref<!tpu.dma_semaphore, #tpu.memory_space<semaphore_mem>>)
    %dma_start3A_37 = arith.constant 7 : i32
    %dma_start3A_38 = tpu.memref_slice %arg2[%dma_start3A_37, %multiple_of3A] : memref<200x4096xi32, #tpu.memory_space<hbm>> -> memref<1x128xi32, #tpu.memory_space<hbm>>
    %dma_start3A_39 = tpu.memref_squeeze %dma_start3A_38 : memref<1x128xi32, #tpu.memory_space<hbm>> -> memref<128xi32, #tpu.memory_space<hbm>>
    %dma_start3A_40 = tpu.memref_slice %arg2[%dma_start3A_37, %multiple_of3A] : memref<200x4096xi32, #tpu.memory_space<hbm>> -> memref<1x128xi32, #tpu.memory_space<hbm>>
    %dma_start3A_41 = tpu.memref_squeeze %dma_start3A_40 : memref<1x128xi32, #tpu.memory_space<hbm>> -> memref<128xi32, #tpu.memory_space<hbm>>
    tpu.enqueue_dma source(%dma_start3A_41 : memref<128xi32, #tpu.memory_space<hbm>>) target(%arg12 : memref<128xi32, #tpu.memory_space<vmem>>) target_semaphore(%arg21 : memref<!tpu.dma_semaphore, #tpu.memory_space<semaphore_mem>>)
    %dma_wait3A = arith.constant 0 : i32
    %dma_wait3A_42 = tpu.memref_slice %arg2[%dma_wait3A, %multiple_of3A] : memref<200x4096xi32, #tpu.memory_space<hbm>> -> memref<1x128xi32, #tpu.memory_space<hbm>>
    %dma_wait3A_43 = tpu.memref_squeeze %dma_wait3A_42 : memref<1x128xi32, #tpu.memory_space<hbm>> -> memref<128xi32, #tpu.memory_space<hbm>>
    %dma_wait3A_44 = tpu.memref_slice %arg2[%dma_wait3A, %multiple_of3A] : memref<200x4096xi32, #tpu.memory_space<hbm>> -> memref<1x128xi32, #tpu.memory_space<hbm>>
    %dma_wait3A_45 = tpu.memref_squeeze %dma_wait3A_44 : memref<1x128xi32, #tpu.memory_space<hbm>> -> memref<128xi32, #tpu.memory_space<hbm>>
    tpu.wait_dma2 semaphore(%arg21 : memref<!tpu.dma_semaphore, #tpu.memory_space<semaphore_mem>>) src(%dma_wait3A_45 : memref<128xi32, #tpu.memory_space<hbm>>) dst(%arg5 : memref<128xi32, #tpu.memory_space<vmem>>)
    %dma_start3A_46 = arith.constant 0 : i32
    %dma_start3A_47 = arith.constant 0 : i32
    %dma_start3A_48 = tpu.memref_slice %arg3[%dma_start3A_46, %dma_start3A_47] : memref<100000x64xf32, #tpu.memory_space<hbm>> -> memref<100000x64xf32, #tpu.memory_space<hbm>>
    tpu.enqueue_indirect_dma source(%dma_start3A_48 : memref<100000x64xf32, #tpu.memory_space<hbm>>) target(%arg13 : memref<128x64xf32, #tpu.memory_space<vmem>>) offsets(%arg5 : memref<128xi32, #tpu.memory_space<vmem>>) semaphore(%arg22 : memref<!tpu.dma_semaphore, #tpu.memory_space<semaphore_mem>>)
    %dma_wait3A_49 = arith.constant 1 : i32
    %dma_wait3A_50 = tpu.memref_slice %arg2[%dma_wait3A_49, %multiple_of3A] : memref<200x4096xi32, #tpu.memory_space<hbm>> -> memref<1x128xi32, #tpu.memory_space<hbm>>
    %dma_wait3A_51 = tpu.memref_squeeze %dma_wait3A_50 : memref<1x128xi32, #tpu.memory_space<hbm>> -> memref<128xi32, #tpu.memory_space<hbm>>
    %dma_wait3A_52 = tpu.memref_slice %arg2[%dma_wait3A_49, %multiple_of3A] : memref<200x4096xi32, #tpu.memory_space<hbm>> -> memref<1x128xi32, #tpu.memory_space<hbm>>
    %dma_wait3A_53 = tpu.memref_squeeze %dma_wait3A_52 : memref<1x128xi32, #tpu.memory_space<hbm>> -> memref<128xi32, #tpu.memory_space<hbm>>
    tpu.wait_dma2 semaphore(%arg21 : memref<!tpu.dma_semaphore, #tpu.memory_space<semaphore_mem>>) src(%dma_wait3A_53 : memref<128xi32, #tpu.memory_space<hbm>>) dst(%arg6 : memref<128xi32, #tpu.memory_space<vmem>>)
    %dma_start3A_54 = arith.constant 0 : i32
    %dma_start3A_55 = arith.constant 0 : i32
    %dma_start3A_56 = tpu.memref_slice %arg3[%dma_start3A_54, %dma_start3A_55] : memref<100000x64xf32, #tpu.memory_space<hbm>> -> memref<100000x64xf32, #tpu.memory_space<hbm>>
    tpu.enqueue_indirect_dma source(%dma_start3A_56 : memref<100000x64xf32, #tpu.memory_space<hbm>>) target(%arg14 : memref<128x64xf32, #tpu.memory_space<vmem>>) offsets(%arg6 : memref<128xi32, #tpu.memory_space<vmem>>) semaphore(%arg22 : memref<!tpu.dma_semaphore, #tpu.memory_space<semaphore_mem>>)
    %dma_wait3A_57 = arith.constant 2 : i32
    %dma_wait3A_58 = tpu.memref_slice %arg2[%dma_wait3A_57, %multiple_of3A] : memref<200x4096xi32, #tpu.memory_space<hbm>> -> memref<1x128xi32, #tpu.memory_space<hbm>>
    %dma_wait3A_59 = tpu.memref_squeeze %dma_wait3A_58 : memref<1x128xi32, #tpu.memory_space<hbm>> -> memref<128xi32, #tpu.memory_space<hbm>>
    %dma_wait3A_60 = tpu.memref_slice %arg2[%dma_wait3A_57, %multiple_of3A] : memref<200x4096xi32, #tpu.memory_space<hbm>> -> memref<1x128xi32, #tpu.memory_space<hbm>>
    %dma_wait3A_61 = tpu.memref_squeeze %dma_wait3A_60 : memref<1x128xi32, #tpu.memory_space<hbm>> -> memref<128xi32, #tpu.memory_space<hbm>>
    tpu.wait_dma2 semaphore(%arg21 : memref<!tpu.dma_semaphore, #tpu.memory_space<semaphore_mem>>) src(%dma_wait3A_61 : memref<128xi32, #tpu.memory_space<hbm>>) dst(%arg7 : memref<128xi32, #tpu.memory_space<vmem>>)
    %dma_start3A_62 = arith.constant 0 : i32
    %dma_start3A_63 = arith.constant 0 : i32
    %dma_start3A_64 = tpu.memref_slice %arg3[%dma_start3A_62, %dma_start3A_63] : memref<100000x64xf32, #tpu.memory_space<hbm>> -> memref<100000x64xf32, #tpu.memory_space<hbm>>
    tpu.enqueue_indirect_dma source(%dma_start3A_64 : memref<100000x64xf32, #tpu.memory_space<hbm>>) target(%arg15 : memref<128x64xf32, #tpu.memory_space<vmem>>) offsets(%arg7 : memref<128xi32, #tpu.memory_space<vmem>>) semaphore(%arg22 : memref<!tpu.dma_semaphore, #tpu.memory_space<semaphore_mem>>)
    %dma_wait3A_65 = arith.constant 3 : i32
    %dma_wait3A_66 = tpu.memref_slice %arg2[%dma_wait3A_65, %multiple_of3A] : memref<200x4096xi32, #tpu.memory_space<hbm>> -> memref<1x128xi32, #tpu.memory_space<hbm>>
    %dma_wait3A_67 = tpu.memref_squeeze %dma_wait3A_66 : memref<1x128xi32, #tpu.memory_space<hbm>> -> memref<128xi32, #tpu.memory_space<hbm>>
    %dma_wait3A_68 = tpu.memref_slice %arg2[%dma_wait3A_65, %multiple_of3A] : memref<200x4096xi32, #tpu.memory_space<hbm>> -> memref<1x128xi32, #tpu.memory_space<hbm>>
    %dma_wait3A_69 = tpu.memref_squeeze %dma_wait3A_68 : memref<1x128xi32, #tpu.memory_space<hbm>> -> memref<128xi32, #tpu.memory_space<hbm>>
    tpu.wait_dma2 semaphore(%arg21 : memref<!tpu.dma_semaphore, #tpu.memory_space<semaphore_mem>>) src(%dma_wait3A_69 : memref<128xi32, #tpu.memory_space<hbm>>) dst(%arg8 : memref<128xi32, #tpu.memory_space<vmem>>)
    %dma_start3A_70 = arith.constant 0 : i32
    %dma_start3A_71 = arith.constant 0 : i32
    %dma_start3A_72 = tpu.memref_slice %arg3[%dma_start3A_70, %dma_start3A_71] : memref<100000x64xf32, #tpu.memory_space<hbm>> -> memref<100000x64xf32, #tpu.memory_space<hbm>>
    tpu.enqueue_indirect_dma source(%dma_start3A_72 : memref<100000x64xf32, #tpu.memory_space<hbm>>) target(%arg16 : memref<128x64xf32, #tpu.memory_space<vmem>>) offsets(%arg8 : memref<128xi32, #tpu.memory_space<vmem>>) semaphore(%arg22 : memref<!tpu.dma_semaphore, #tpu.memory_space<semaphore_mem>>)
    %dma_wait3A_73 = arith.constant 4 : i32
    %dma_wait3A_74 = tpu.memref_slice %arg2[%dma_wait3A_73, %multiple_of3A] : memref<200x4096xi32, #tpu.memory_space<hbm>> -> memref<1x128xi32, #tpu.memory_space<hbm>>
    %dma_wait3A_75 = tpu.memref_squeeze %dma_wait3A_74 : memref<1x128xi32, #tpu.memory_space<hbm>> -> memref<128xi32, #tpu.memory_space<hbm>>
    %dma_wait3A_76 = tpu.memref_slice %arg2[%dma_wait3A_73, %multiple_of3A] : memref<200x4096xi32, #tpu.memory_space<hbm>> -> memref<1x128xi32, #tpu.memory_space<hbm>>
    %dma_wait3A_77 = tpu.memref_squeeze %dma_wait3A_76 : memref<1x128xi32, #tpu.memory_space<hbm>> -> memref<128xi32, #tpu.memory_space<hbm>>
    tpu.wait_dma2 semaphore(%arg21 : memref<!tpu.dma_semaphore, #tpu.memory_space<semaphore_mem>>) src(%dma_wait3A_77 : memref<128xi32, #tpu.memory_space<hbm>>) dst(%arg9 : memref<128xi32, #tpu.memory_space<vmem>>)
    %dma_start3A_78 = arith.constant 0 : i32
    %dma_start3A_79 = arith.constant 0 : i32
    %dma_start3A_80 = tpu.memref_slice %arg3[%dma_start3A_78, %dma_start3A_79] : memref<100000x64xf32, #tpu.memory_space<hbm>> -> memref<100000x64xf32, #tpu.memory_space<hbm>>
    tpu.enqueue_indirect_dma source(%dma_start3A_80 : memref<100000x64xf32, #tpu.memory_space<hbm>>) target(%arg17 : memref<128x64xf32, #tpu.memory_space<vmem>>) offsets(%arg9 : memref<128xi32, #tpu.memory_space<vmem>>) semaphore(%arg22 : memref<!tpu.dma_semaphore, #tpu.memory_space<semaphore_mem>>)
    %dma_wait3A_81 = arith.constant 5 : i32
    %dma_wait3A_82 = tpu.memref_slice %arg2[%dma_wait3A_81, %multiple_of3A] : memref<200x4096xi32, #tpu.memory_space<hbm>> -> memref<1x128xi32, #tpu.memory_space<hbm>>
    %dma_wait3A_83 = tpu.memref_squeeze %dma_wait3A_82 : memref<1x128xi32, #tpu.memory_space<hbm>> -> memref<128xi32, #tpu.memory_space<hbm>>
    %dma_wait3A_84 = tpu.memref_slice %arg2[%dma_wait3A_81, %multiple_of3A] : memref<200x4096xi32, #tpu.memory_space<hbm>> -> memref<1x128xi32, #tpu.memory_space<hbm>>
    %dma_wait3A_85 = tpu.memref_squeeze %dma_wait3A_84 : memref<1x128xi32, #tpu.memory_space<hbm>> -> memref<128xi32, #tpu.memory_space<hbm>>
    tpu.wait_dma2 semaphore(%arg21 : memref<!tpu.dma_semaphore, #tpu.memory_space<semaphore_mem>>) src(%dma_wait3A_85 : memref<128xi32, #tpu.memory_space<hbm>>) dst(%arg10 : memref<128xi32, #tpu.memory_space<vmem>>)
    %dma_start3A_86 = arith.constant 0 : i32
    %dma_start3A_87 = arith.constant 0 : i32
    %dma_start3A_88 = tpu.memref_slice %arg3[%dma_start3A_86, %dma_start3A_87] : memref<100000x64xf32, #tpu.memory_space<hbm>> -> memref<100000x64xf32, #tpu.memory_space<hbm>>
    tpu.enqueue_indirect_dma source(%dma_start3A_88 : memref<100000x64xf32, #tpu.memory_space<hbm>>) target(%arg18 : memref<128x64xf32, #tpu.memory_space<vmem>>) offsets(%arg10 : memref<128xi32, #tpu.memory_space<vmem>>) semaphore(%arg22 : memref<!tpu.dma_semaphore, #tpu.memory_space<semaphore_mem>>)
    %dma_wait3A_89 = arith.constant 6 : i32
    %dma_wait3A_90 = tpu.memref_slice %arg2[%dma_wait3A_89, %multiple_of3A] : memref<200x4096xi32, #tpu.memory_space<hbm>> -> memref<1x128xi32, #tpu.memory_space<hbm>>
    %dma_wait3A_91 = tpu.memref_squeeze %dma_wait3A_90 : memref<1x128xi32, #tpu.memory_space<hbm>> -> memref<128xi32, #tpu.memory_space<hbm>>
    %dma_wait3A_92 = tpu.memref_slice %arg2[%dma_wait3A_89, %multiple_of3A] : memref<200x4096xi32, #tpu.memory_space<hbm>> -> memref<1x128xi32, #tpu.memory_space<hbm>>
    %dma_wait3A_93 = tpu.memref_squeeze %dma_wait3A_92 : memref<1x128xi32, #tpu.memory_space<hbm>> -> memref<128xi32, #tpu.memory_space<hbm>>
    tpu.wait_dma2 semaphore(%arg21 : memref<!tpu.dma_semaphore, #tpu.memory_space<semaphore_mem>>) src(%dma_wait3A_93 : memref<128xi32, #tpu.memory_space<hbm>>) dst(%arg11 : memref<128xi32, #tpu.memory_space<vmem>>)
    %dma_start3A_94 = arith.constant 0 : i32
    %dma_start3A_95 = arith.constant 0 : i32
    %dma_start3A_96 = tpu.memref_slice %arg3[%dma_start3A_94, %dma_start3A_95] : memref<100000x64xf32, #tpu.memory_space<hbm>> -> memref<100000x64xf32, #tpu.memory_space<hbm>>
    tpu.enqueue_indirect_dma source(%dma_start3A_96 : memref<100000x64xf32, #tpu.memory_space<hbm>>) target(%arg19 : memref<128x64xf32, #tpu.memory_space<vmem>>) offsets(%arg11 : memref<128xi32, #tpu.memory_space<vmem>>) semaphore(%arg22 : memref<!tpu.dma_semaphore, #tpu.memory_space<semaphore_mem>>)
    %dma_wait3A_97 = arith.constant 7 : i32
    %dma_wait3A_98 = tpu.memref_slice %arg2[%dma_wait3A_97, %multiple_of3A] : memref<200x4096xi32, #tpu.memory_space<hbm>> -> memref<1x128xi32, #tpu.memory_space<hbm>>
    %dma_wait3A_99 = tpu.memref_squeeze %dma_wait3A_98 : memref<1x128xi32, #tpu.memory_space<hbm>> -> memref<128xi32, #tpu.memory_space<hbm>>
    %dma_wait3A_100 = tpu.memref_slice %arg2[%dma_wait3A_97, %multiple_of3A] : memref<200x4096xi32, #tpu.memory_space<hbm>> -> memref<1x128xi32, #tpu.memory_space<hbm>>
    %dma_wait3A_101 = tpu.memref_squeeze %dma_wait3A_100 : memref<1x128xi32, #tpu.memory_space<hbm>> -> memref<128xi32, #tpu.memory_space<hbm>>
    tpu.wait_dma2 semaphore(%arg21 : memref<!tpu.dma_semaphore, #tpu.memory_space<semaphore_mem>>) src(%dma_wait3A_101 : memref<128xi32, #tpu.memory_space<hbm>>) dst(%arg12 : memref<128xi32, #tpu.memory_space<vmem>>)
    %dma_start3A_102 = arith.constant 0 : i32
    %dma_start3A_103 = arith.constant 0 : i32
    %dma_start3A_104 = tpu.memref_slice %arg3[%dma_start3A_102, %dma_start3A_103] : memref<100000x64xf32, #tpu.memory_space<hbm>> -> memref<100000x64xf32, #tpu.memory_space<hbm>>
    tpu.enqueue_indirect_dma source(%dma_start3A_104 : memref<100000x64xf32, #tpu.memory_space<hbm>>) target(%arg20 : memref<128x64xf32, #tpu.memory_space<vmem>>) offsets(%arg12 : memref<128xi32, #tpu.memory_space<vmem>>) semaphore(%arg22 : memref<!tpu.dma_semaphore, #tpu.memory_space<semaphore_mem>>)
    %scan3A = arith.constant 0 : i32
    %scan3A_105 = arith.constant 0 : i32
    %scan3A_106 = arith.constant 24 : i32
    %scan3A_107 = arith.addi %scan3A_105, %scan3A_106 : i32
    %scan3A_108 = arith.constant 1 : i32
    scf.for %scan3A_246 = %scan3A_105 to %scan3A_107 step %scan3A_108  : i32 {
      %mul3A_247 = arith.constant 8 : i32
      %mul3A_248 = arith.muli %scan3A_246, %mul3A_247 : i32
      %add3A_249 = arith.constant 0 : i32
      %add3A_250 = arith.addi %mul3A_248, %add3A_249 : i32
      %dma_wait3A_251 = arith.constant 0 : i32
      %dma_wait3A_252 = arith.constant 0 : i32
      %dma_wait3A_253 = tpu.memref_slice %arg3[%dma_wait3A_251, %dma_wait3A_252] : memref<100000x64xf32, #tpu.memory_space<hbm>> -> memref<100000x64xf32, #tpu.memory_space<hbm>>
      tpu.wait_indirect_dma semaphore(%arg22 : memref<!tpu.dma_semaphore, #tpu.memory_space<semaphore_mem>>) src(%dma_wait3A_253 : memref<100000x64xf32, #tpu.memory_space<hbm>>) dst(%arg13 : memref<128x64xf32, #tpu.memory_space<vmem>>)
      %add3A_254 = arith.constant 0 : i32
      %add3A_255 = arith.addi %mul3A_248, %add3A_254 : i32
      %dma_start3A_256 = arith.constant 0 : i32
      %dma_start3A_257 = tpu.memref_slice %arg4[%add3A_255, %multiple_of3A, %dma_start3A_256] : memref<200x4096x64xf32, #tpu.memory_space<hbm>> -> memref<1x128x64xf32, #tpu.memory_space<hbm>>
      %dma_start3A_258 = tpu.memref_squeeze %dma_start3A_257 : memref<1x128x64xf32, #tpu.memory_space<hbm>> -> memref<128x64xf32, #tpu.memory_space<hbm>>
      %dma_start3A_259 = arith.constant 0 : i32
      %dma_start3A_260 = tpu.memref_slice %arg4[%add3A_255, %multiple_of3A, %dma_start3A_259] : memref<200x4096x64xf32, #tpu.memory_space<hbm>> -> memref<1x128x64xf32, #tpu.memory_space<hbm>>
      %dma_start3A_261 = tpu.memref_squeeze %dma_start3A_260 : memref<1x128x64xf32, #tpu.memory_space<hbm>> -> memref<128x64xf32, #tpu.memory_space<hbm>>
      tpu.enqueue_dma source(%arg13 : memref<128x64xf32, #tpu.memory_space<vmem>>) target(%dma_start3A_261 : memref<128x64xf32, #tpu.memory_space<hbm>>) target_semaphore(%arg23 : memref<!tpu.dma_semaphore, #tpu.memory_space<semaphore_mem>>)
      %add3A_262 = arith.constant 1 : i32
      %add3A_263 = arith.addi %mul3A_248, %add3A_262 : i32
      %dma_wait3A_264 = arith.constant 0 : i32
      %dma_wait3A_265 = arith.constant 0 : i32
      %dma_wait3A_266 = tpu.memref_slice %arg3[%dma_wait3A_264, %dma_wait3A_265] : memref<100000x64xf32, #tpu.memory_space<hbm>> -> memref<100000x64xf32, #tpu.memory_space<hbm>>
      tpu.wait_indirect_dma semaphore(%arg22 : memref<!tpu.dma_semaphore, #tpu.memory_space<semaphore_mem>>) src(%dma_wait3A_266 : memref<100000x64xf32, #tpu.memory_space<hbm>>) dst(%arg14 : memref<128x64xf32, #tpu.memory_space<vmem>>)
      %add3A_267 = arith.constant 1 : i32
      %add3A_268 = arith.addi %mul3A_248, %add3A_267 : i32
      %dma_start3A_269 = arith.constant 0 : i32
      %dma_start3A_270 = tpu.memref_slice %arg4[%add3A_268, %multiple_of3A, %dma_start3A_269] : memref<200x4096x64xf32, #tpu.memory_space<hbm>> -> memref<1x128x64xf32, #tpu.memory_space<hbm>>
      %dma_start3A_271 = tpu.memref_squeeze %dma_start3A_270 : memref<1x128x64xf32, #tpu.memory_space<hbm>> -> memref<128x64xf32, #tpu.memory_space<hbm>>
      %dma_start3A_272 = arith.constant 0 : i32
      %dma_start3A_273 = tpu.memref_slice %arg4[%add3A_268, %multiple_of3A, %dma_start3A_272] : memref<200x4096x64xf32, #tpu.memory_space<hbm>> -> memref<1x128x64xf32, #tpu.memory_space<hbm>>
      %dma_start3A_274 = tpu.memref_squeeze %dma_start3A_273 : memref<1x128x64xf32, #tpu.memory_space<hbm>> -> memref<128x64xf32, #tpu.memory_space<hbm>>
      tpu.enqueue_dma source(%arg14 : memref<128x64xf32, #tpu.memory_space<vmem>>) target(%dma_start3A_274 : memref<128x64xf32, #tpu.memory_space<hbm>>) target_semaphore(%arg23 : memref<!tpu.dma_semaphore, #tpu.memory_space<semaphore_mem>>)
      %add3A_275 = arith.constant 2 : i32
      %add3A_276 = arith.addi %mul3A_248, %add3A_275 : i32
      %dma_wait3A_277 = arith.constant 0 : i32
      %dma_wait3A_278 = arith.constant 0 : i32
      %dma_wait3A_279 = tpu.memref_slice %arg3[%dma_wait3A_277, %dma_wait3A_278] : memref<100000x64xf32, #tpu.memory_space<hbm>> -> memref<100000x64xf32, #tpu.memory_space<hbm>>
      tpu.wait_indirect_dma semaphore(%arg22 : memref<!tpu.dma_semaphore, #tpu.memory_space<semaphore_mem>>) src(%dma_wait3A_279 : memref<100000x64xf32, #tpu.memory_space<hbm>>) dst(%arg15 : memref<128x64xf32, #tpu.memory_space<vmem>>)
      %add3A_280 = arith.constant 2 : i32
      %add3A_281 = arith.addi %mul3A_248, %add3A_280 : i32
      %dma_start3A_282 = arith.constant 0 : i32
      %dma_start3A_283 = tpu.memref_slice %arg4[%add3A_281, %multiple_of3A, %dma_start3A_282] : memref<200x4096x64xf32, #tpu.memory_space<hbm>> -> memref<1x128x64xf32, #tpu.memory_space<hbm>>
      %dma_start3A_284 = tpu.memref_squeeze %dma_start3A_283 : memref<1x128x64xf32, #tpu.memory_space<hbm>> -> memref<128x64xf32, #tpu.memory_space<hbm>>
      %dma_start3A_285 = arith.constant 0 : i32
      %dma_start3A_286 = tpu.memref_slice %arg4[%add3A_281, %multiple_of3A, %dma_start3A_285] : memref<200x4096x64xf32, #tpu.memory_space<hbm>> -> memref<1x128x64xf32, #tpu.memory_space<hbm>>
      %dma_start3A_287 = tpu.memref_squeeze %dma_start3A_286 : memref<1x128x64xf32, #tpu.memory_space<hbm>> -> memref<128x64xf32, #tpu.memory_space<hbm>>
      tpu.enqueue_dma source(%arg15 : memref<128x64xf32, #tpu.memory_space<vmem>>) target(%dma_start3A_287 : memref<128x64xf32, #tpu.memory_space<hbm>>) target_semaphore(%arg23 : memref<!tpu.dma_semaphore, #tpu.memory_space<semaphore_mem>>)
      %add3A_288 = arith.constant 3 : i32
      %add3A_289 = arith.addi %mul3A_248, %add3A_288 : i32
      %dma_wait3A_290 = arith.constant 0 : i32
      %dma_wait3A_291 = arith.constant 0 : i32
      %dma_wait3A_292 = tpu.memref_slice %arg3[%dma_wait3A_290, %dma_wait3A_291] : memref<100000x64xf32, #tpu.memory_space<hbm>> -> memref<100000x64xf32, #tpu.memory_space<hbm>>
      tpu.wait_indirect_dma semaphore(%arg22 : memref<!tpu.dma_semaphore, #tpu.memory_space<semaphore_mem>>) src(%dma_wait3A_292 : memref<100000x64xf32, #tpu.memory_space<hbm>>) dst(%arg16 : memref<128x64xf32, #tpu.memory_space<vmem>>)
      %add3A_293 = arith.constant 3 : i32
      %add3A_294 = arith.addi %mul3A_248, %add3A_293 : i32
      %dma_start3A_295 = arith.constant 0 : i32
      %dma_start3A_296 = tpu.memref_slice %arg4[%add3A_294, %multiple_of3A, %dma_start3A_295] : memref<200x4096x64xf32, #tpu.memory_space<hbm>> -> memref<1x128x64xf32, #tpu.memory_space<hbm>>
      %dma_start3A_297 = tpu.memref_squeeze %dma_start3A_296 : memref<1x128x64xf32, #tpu.memory_space<hbm>> -> memref<128x64xf32, #tpu.memory_space<hbm>>
      %dma_start3A_298 = arith.constant 0 : i32
      %dma_start3A_299 = tpu.memref_slice %arg4[%add3A_294, %multiple_of3A, %dma_start3A_298] : memref<200x4096x64xf32, #tpu.memory_space<hbm>> -> memref<1x128x64xf32, #tpu.memory_space<hbm>>
      %dma_start3A_300 = tpu.memref_squeeze %dma_start3A_299 : memref<1x128x64xf32, #tpu.memory_space<hbm>> -> memref<128x64xf32, #tpu.memory_space<hbm>>
      tpu.enqueue_dma source(%arg16 : memref<128x64xf32, #tpu.memory_space<vmem>>) target(%dma_start3A_300 : memref<128x64xf32, #tpu.memory_space<hbm>>) target_semaphore(%arg23 : memref<!tpu.dma_semaphore, #tpu.memory_space<semaphore_mem>>)
      %add3A_301 = arith.constant 4 : i32
      %add3A_302 = arith.addi %mul3A_248, %add3A_301 : i32
      %dma_wait3A_303 = arith.constant 0 : i32
      %dma_wait3A_304 = arith.constant 0 : i32
      %dma_wait3A_305 = tpu.memref_slice %arg3[%dma_wait3A_303, %dma_wait3A_304] : memref<100000x64xf32, #tpu.memory_space<hbm>> -> memref<100000x64xf32, #tpu.memory_space<hbm>>
      tpu.wait_indirect_dma semaphore(%arg22 : memref<!tpu.dma_semaphore, #tpu.memory_space<semaphore_mem>>) src(%dma_wait3A_305 : memref<100000x64xf32, #tpu.memory_space<hbm>>) dst(%arg17 : memref<128x64xf32, #tpu.memory_space<vmem>>)
      %add3A_306 = arith.constant 4 : i32
      %add3A_307 = arith.addi %mul3A_248, %add3A_306 : i32
      %dma_start3A_308 = arith.constant 0 : i32
      %dma_start3A_309 = tpu.memref_slice %arg4[%add3A_307, %multiple_of3A, %dma_start3A_308] : memref<200x4096x64xf32, #tpu.memory_space<hbm>> -> memref<1x128x64xf32, #tpu.memory_space<hbm>>
      %dma_start3A_310 = tpu.memref_squeeze %dma_start3A_309 : memref<1x128x64xf32, #tpu.memory_space<hbm>> -> memref<128x64xf32, #tpu.memory_space<hbm>>
      %dma_start3A_311 = arith.constant 0 : i32
      %dma_start3A_312 = tpu.memref_slice %arg4[%add3A_307, %multiple_of3A, %dma_start3A_311] : memref<200x4096x64xf32, #tpu.memory_space<hbm>> -> memref<1x128x64xf32, #tpu.memory_space<hbm>>
      %dma_start3A_313 = tpu.memref_squeeze %dma_start3A_312 : memref<1x128x64xf32, #tpu.memory_space<hbm>> -> memref<128x64xf32, #tpu.memory_space<hbm>>
      tpu.enqueue_dma source(%arg17 : memref<128x64xf32, #tpu.memory_space<vmem>>) target(%dma_start3A_313 : memref<128x64xf32, #tpu.memory_space<hbm>>) target_semaphore(%arg23 : memref<!tpu.dma_semaphore, #tpu.memory_space<semaphore_mem>>)
      %add3A_314 = arith.constant 5 : i32
      %add3A_315 = arith.addi %mul3A_248, %add3A_314 : i32
      %dma_wait3A_316 = arith.constant 0 : i32
      %dma_wait3A_317 = arith.constant 0 : i32
      %dma_wait3A_318 = tpu.memref_slice %arg3[%dma_wait3A_316, %dma_wait3A_317] : memref<100000x64xf32, #tpu.memory_space<hbm>> -> memref<100000x64xf32, #tpu.memory_space<hbm>>
      tpu.wait_indirect_dma semaphore(%arg22 : memref<!tpu.dma_semaphore, #tpu.memory_space<semaphore_mem>>) src(%dma_wait3A_318 : memref<100000x64xf32, #tpu.memory_space<hbm>>) dst(%arg18 : memref<128x64xf32, #tpu.memory_space<vmem>>)
      %add3A_319 = arith.constant 5 : i32
      %add3A_320 = arith.addi %mul3A_248, %add3A_319 : i32
      %dma_start3A_321 = arith.constant 0 : i32
      %dma_start3A_322 = tpu.memref_slice %arg4[%add3A_320, %multiple_of3A, %dma_start3A_321] : memref<200x4096x64xf32, #tpu.memory_space<hbm>> -> memref<1x128x64xf32, #tpu.memory_space<hbm>>
      %dma_start3A_323 = tpu.memref_squeeze %dma_start3A_322 : memref<1x128x64xf32, #tpu.memory_space<hbm>> -> memref<128x64xf32, #tpu.memory_space<hbm>>
      %dma_start3A_324 = arith.constant 0 : i32
      %dma_start3A_325 = tpu.memref_slice %arg4[%add3A_320, %multiple_of3A, %dma_start3A_324] : memref<200x4096x64xf32, #tpu.memory_space<hbm>> -> memref<1x128x64xf32, #tpu.memory_space<hbm>>
      %dma_start3A_326 = tpu.memref_squeeze %dma_start3A_325 : memref<1x128x64xf32, #tpu.memory_space<hbm>> -> memref<128x64xf32, #tpu.memory_space<hbm>>
      tpu.enqueue_dma source(%arg18 : memref<128x64xf32, #tpu.memory_space<vmem>>) target(%dma_start3A_326 : memref<128x64xf32, #tpu.memory_space<hbm>>) target_semaphore(%arg23 : memref<!tpu.dma_semaphore, #tpu.memory_space<semaphore_mem>>)
      %add3A_327 = arith.constant 6 : i32
      %add3A_328 = arith.addi %mul3A_248, %add3A_327 : i32
      %dma_wait3A_329 = arith.constant 0 : i32
      %dma_wait3A_330 = arith.constant 0 : i32
      %dma_wait3A_331 = tpu.memref_slice %arg3[%dma_wait3A_329, %dma_wait3A_330] : memref<100000x64xf32, #tpu.memory_space<hbm>> -> memref<100000x64xf32, #tpu.memory_space<hbm>>
      tpu.wait_indirect_dma semaphore(%arg22 : memref<!tpu.dma_semaphore, #tpu.memory_space<semaphore_mem>>) src(%dma_wait3A_331 : memref<100000x64xf32, #tpu.memory_space<hbm>>) dst(%arg19 : memref<128x64xf32, #tpu.memory_space<vmem>>)
      %add3A_332 = arith.constant 6 : i32
      %add3A_333 = arith.addi %mul3A_248, %add3A_332 : i32
      %dma_start3A_334 = arith.constant 0 : i32
      %dma_start3A_335 = tpu.memref_slice %arg4[%add3A_333, %multiple_of3A, %dma_start3A_334] : memref<200x4096x64xf32, #tpu.memory_space<hbm>> -> memref<1x128x64xf32, #tpu.memory_space<hbm>>
      %dma_start3A_336 = tpu.memref_squeeze %dma_start3A_335 : memref<1x128x64xf32, #tpu.memory_space<hbm>> -> memref<128x64xf32, #tpu.memory_space<hbm>>
      %dma_start3A_337 = arith.constant 0 : i32
      %dma_start3A_338 = tpu.memref_slice %arg4[%add3A_333, %multiple_of3A, %dma_start3A_337] : memref<200x4096x64xf32, #tpu.memory_space<hbm>> -> memref<1x128x64xf32, #tpu.memory_space<hbm>>
      %dma_start3A_339 = tpu.memref_squeeze %dma_start3A_338 : memref<1x128x64xf32, #tpu.memory_space<hbm>> -> memref<128x64xf32, #tpu.memory_space<hbm>>
      tpu.enqueue_dma source(%arg19 : memref<128x64xf32, #tpu.memory_space<vmem>>) target(%dma_start3A_339 : memref<128x64xf32, #tpu.memory_space<hbm>>) target_semaphore(%arg23 : memref<!tpu.dma_semaphore, #tpu.memory_space<semaphore_mem>>)
      %add3A_340 = arith.constant 7 : i32
      %add3A_341 = arith.addi %mul3A_248, %add3A_340 : i32
      %dma_wait3A_342 = arith.constant 0 : i32
      %dma_wait3A_343 = arith.constant 0 : i32
      %dma_wait3A_344 = tpu.memref_slice %arg3[%dma_wait3A_342, %dma_wait3A_343] : memref<100000x64xf32, #tpu.memory_space<hbm>> -> memref<100000x64xf32, #tpu.memory_space<hbm>>
      tpu.wait_indirect_dma semaphore(%arg22 : memref<!tpu.dma_semaphore, #tpu.memory_space<semaphore_mem>>) src(%dma_wait3A_344 : memref<100000x64xf32, #tpu.memory_space<hbm>>) dst(%arg20 : memref<128x64xf32, #tpu.memory_space<vmem>>)
      %add3A_345 = arith.constant 7 : i32
      %add3A_346 = arith.addi %mul3A_248, %add3A_345 : i32
      %dma_start3A_347 = arith.constant 0 : i32
      %dma_start3A_348 = tpu.memref_slice %arg4[%add3A_346, %multiple_of3A, %dma_start3A_347] : memref<200x4096x64xf32, #tpu.memory_space<hbm>> -> memref<1x128x64xf32, #tpu.memory_space<hbm>>
      %dma_start3A_349 = tpu.memref_squeeze %dma_start3A_348 : memref<1x128x64xf32, #tpu.memory_space<hbm>> -> memref<128x64xf32, #tpu.memory_space<hbm>>
      %dma_start3A_350 = arith.constant 0 : i32
      %dma_start3A_351 = tpu.memref_slice %arg4[%add3A_346, %multiple_of3A, %dma_start3A_350] : memref<200x4096x64xf32, #tpu.memory_space<hbm>> -> memref<1x128x64xf32, #tpu.memory_space<hbm>>
      %dma_start3A_352 = tpu.memref_squeeze %dma_start3A_351 : memref<1x128x64xf32, #tpu.memory_space<hbm>> -> memref<128x64xf32, #tpu.memory_space<hbm>>
      tpu.enqueue_dma source(%arg20 : memref<128x64xf32, #tpu.memory_space<vmem>>) target(%dma_start3A_352 : memref<128x64xf32, #tpu.memory_space<hbm>>) target_semaphore(%arg23 : memref<!tpu.dma_semaphore, #tpu.memory_space<semaphore_mem>>)
      %add3A_353 = arith.constant 0 : i32
      %add3A_354 = arith.addi %mul3A_248, %add3A_353 : i32
      %dma_wait3A_355 = arith.constant 0 : i32
      %dma_wait3A_356 = tpu.memref_slice %arg4[%add3A_354, %multiple_of3A, %dma_wait3A_355] : memref<200x4096x64xf32, #tpu.memory_space<hbm>> -> memref<1x128x64xf32, #tpu.memory_space<hbm>>
      %dma_wait3A_357 = tpu.memref_squeeze %dma_wait3A_356 : memref<1x128x64xf32, #tpu.memory_space<hbm>> -> memref<128x64xf32, #tpu.memory_space<hbm>>
      %dma_wait3A_358 = arith.constant 0 : i32
      %dma_wait3A_359 = tpu.memref_slice %arg4[%add3A_354, %multiple_of3A, %dma_wait3A_358] : memref<200x4096x64xf32, #tpu.memory_space<hbm>> -> memref<1x128x64xf32, #tpu.memory_space<hbm>>
      %dma_wait3A_360 = tpu.memref_squeeze %dma_wait3A_359 : memref<1x128x64xf32, #tpu.memory_space<hbm>> -> memref<128x64xf32, #tpu.memory_space<hbm>>
      tpu.wait_dma2 semaphore(%arg23 : memref<!tpu.dma_semaphore, #tpu.memory_space<semaphore_mem>>) src(%arg13 : memref<128x64xf32, #tpu.memory_space<vmem>>) dst(%dma_wait3A_360 : memref<128x64xf32, #tpu.memory_space<hbm>>)
      %add3A_361 = arith.constant 8 : i32
      %add3A_362 = arith.addi %mul3A_248, %add3A_361 : i32
      %add3A_363 = arith.constant 0 : i32
      %add3A_364 = arith.addi %add3A_362, %add3A_363 : i32
      %dma_start3A_365 = tpu.memref_slice %arg2[%add3A_364, %multiple_of3A] : memref<200x4096xi32, #tpu.memory_space<hbm>> -> memref<1x128xi32, #tpu.memory_space<hbm>>
      %dma_start3A_366 = tpu.memref_squeeze %dma_start3A_365 : memref<1x128xi32, #tpu.memory_space<hbm>> -> memref<128xi32, #tpu.memory_space<hbm>>
      %dma_start3A_367 = tpu.memref_slice %arg2[%add3A_364, %multiple_of3A] : memref<200x4096xi32, #tpu.memory_space<hbm>> -> memref<1x128xi32, #tpu.memory_space<hbm>>
      %dma_start3A_368 = tpu.memref_squeeze %dma_start3A_367 : memref<1x128xi32, #tpu.memory_space<hbm>> -> memref<128xi32, #tpu.memory_space<hbm>>
      tpu.enqueue_dma source(%dma_start3A_368 : memref<128xi32, #tpu.memory_space<hbm>>) target(%arg5 : memref<128xi32, #tpu.memory_space<vmem>>) target_semaphore(%arg21 : memref<!tpu.dma_semaphore, #tpu.memory_space<semaphore_mem>>)
      %add3A_369 = arith.constant 1 : i32
      %add3A_370 = arith.addi %mul3A_248, %add3A_369 : i32
      %dma_wait3A_371 = arith.constant 0 : i32
      %dma_wait3A_372 = tpu.memref_slice %arg4[%add3A_370, %multiple_of3A, %dma_wait3A_371] : memref<200x4096x64xf32, #tpu.memory_space<hbm>> -> memref<1x128x64xf32, #tpu.memory_space<hbm>>
      %dma_wait3A_373 = tpu.memref_squeeze %dma_wait3A_372 : memref<1x128x64xf32, #tpu.memory_space<hbm>> -> memref<128x64xf32, #tpu.memory_space<hbm>>
      %dma_wait3A_374 = arith.constant 0 : i32
      %dma_wait3A_375 = tpu.memref_slice %arg4[%add3A_370, %multiple_of3A, %dma_wait3A_374] : memref<200x4096x64xf32, #tpu.memory_space<hbm>> -> memref<1x128x64xf32, #tpu.memory_space<hbm>>
      %dma_wait3A_376 = tpu.memref_squeeze %dma_wait3A_375 : memref<1x128x64xf32, #tpu.memory_space<hbm>> -> memref<128x64xf32, #tpu.memory_space<hbm>>
      tpu.wait_dma2 semaphore(%arg23 : memref<!tpu.dma_semaphore, #tpu.memory_space<semaphore_mem>>) src(%arg14 : memref<128x64xf32, #tpu.memory_space<vmem>>) dst(%dma_wait3A_376 : memref<128x64xf32, #tpu.memory_space<hbm>>)
      %add3A_377 = arith.constant 8 : i32
      %add3A_378 = arith.addi %mul3A_248, %add3A_377 : i32
      %add3A_379 = arith.constant 1 : i32
      %add3A_380 = arith.addi %add3A_378, %add3A_379 : i32
      %dma_start3A_381 = tpu.memref_slice %arg2[%add3A_380, %multiple_of3A] : memref<200x4096xi32, #tpu.memory_space<hbm>> -> memref<1x128xi32, #tpu.memory_space<hbm>>
      %dma_start3A_382 = tpu.memref_squeeze %dma_start3A_381 : memref<1x128xi32, #tpu.memory_space<hbm>> -> memref<128xi32, #tpu.memory_space<hbm>>
      %dma_start3A_383 = tpu.memref_slice %arg2[%add3A_380, %multiple_of3A] : memref<200x4096xi32, #tpu.memory_space<hbm>> -> memref<1x128xi32, #tpu.memory_space<hbm>>
      %dma_start3A_384 = tpu.memref_squeeze %dma_start3A_383 : memref<1x128xi32, #tpu.memory_space<hbm>> -> memref<128xi32, #tpu.memory_space<hbm>>
      tpu.enqueue_dma source(%dma_start3A_384 : memref<128xi32, #tpu.memory_space<hbm>>) target(%arg6 : memref<128xi32, #tpu.memory_space<vmem>>) target_semaphore(%arg21 : memref<!tpu.dma_semaphore, #tpu.memory_space<semaphore_mem>>)
      %add3A_385 = arith.constant 2 : i32
      %add3A_386 = arith.addi %mul3A_248, %add3A_385 : i32
      %dma_wait3A_387 = arith.constant 0 : i32
      %dma_wait3A_388 = tpu.memref_slice %arg4[%add3A_386, %multiple_of3A, %dma_wait3A_387] : memref<200x4096x64xf32, #tpu.memory_space<hbm>> -> memref<1x128x64xf32, #tpu.memory_space<hbm>>
      %dma_wait3A_389 = tpu.memref_squeeze %dma_wait3A_388 : memref<1x128x64xf32, #tpu.memory_space<hbm>> -> memref<128x64xf32, #tpu.memory_space<hbm>>
      %dma_wait3A_390 = arith.constant 0 : i32
      %dma_wait3A_391 = tpu.memref_slice %arg4[%add3A_386, %multiple_of3A, %dma_wait3A_390] : memref<200x4096x64xf32, #tpu.memory_space<hbm>> -> memref<1x128x64xf32, #tpu.memory_space<hbm>>
      %dma_wait3A_392 = tpu.memref_squeeze %dma_wait3A_391 : memref<1x128x64xf32, #tpu.memory_space<hbm>> -> memref<128x64xf32, #tpu.memory_space<hbm>>
      tpu.wait_dma2 semaphore(%arg23 : memref<!tpu.dma_semaphore, #tpu.memory_space<semaphore_mem>>) src(%arg15 : memref<128x64xf32, #tpu.memory_space<vmem>>) dst(%dma_wait3A_392 : memref<128x64xf32, #tpu.memory_space<hbm>>)
      %add3A_393 = arith.constant 8 : i32
      %add3A_394 = arith.addi %mul3A_248, %add3A_393 : i32
      %add3A_395 = arith.constant 2 : i32
      %add3A_396 = arith.addi %add3A_394, %add3A_395 : i32
      %dma_start3A_397 = tpu.memref_slice %arg2[%add3A_396, %multiple_of3A] : memref<200x4096xi32, #tpu.memory_space<hbm>> -> memref<1x128xi32, #tpu.memory_space<hbm>>
      %dma_start3A_398 = tpu.memref_squeeze %dma_start3A_397 : memref<1x128xi32, #tpu.memory_space<hbm>> -> memref<128xi32, #tpu.memory_space<hbm>>
      %dma_start3A_399 = tpu.memref_slice %arg2[%add3A_396, %multiple_of3A] : memref<200x4096xi32, #tpu.memory_space<hbm>> -> memref<1x128xi32, #tpu.memory_space<hbm>>
      %dma_start3A_400 = tpu.memref_squeeze %dma_start3A_399 : memref<1x128xi32, #tpu.memory_space<hbm>> -> memref<128xi32, #tpu.memory_space<hbm>>
      tpu.enqueue_dma source(%dma_start3A_400 : memref<128xi32, #tpu.memory_space<hbm>>) target(%arg7 : memref<128xi32, #tpu.memory_space<vmem>>) target_semaphore(%arg21 : memref<!tpu.dma_semaphore, #tpu.memory_space<semaphore_mem>>)
      %add3A_401 = arith.constant 3 : i32
      %add3A_402 = arith.addi %mul3A_248, %add3A_401 : i32
      %dma_wait3A_403 = arith.constant 0 : i32
      %dma_wait3A_404 = tpu.memref_slice %arg4[%add3A_402, %multiple_of3A, %dma_wait3A_403] : memref<200x4096x64xf32, #tpu.memory_space<hbm>> -> memref<1x128x64xf32, #tpu.memory_space<hbm>>
      %dma_wait3A_405 = tpu.memref_squeeze %dma_wait3A_404 : memref<1x128x64xf32, #tpu.memory_space<hbm>> -> memref<128x64xf32, #tpu.memory_space<hbm>>
      %dma_wait3A_406 = arith.constant 0 : i32
      %dma_wait3A_407 = tpu.memref_slice %arg4[%add3A_402, %multiple_of3A, %dma_wait3A_406] : memref<200x4096x64xf32, #tpu.memory_space<hbm>> -> memref<1x128x64xf32, #tpu.memory_space<hbm>>
      %dma_wait3A_408 = tpu.memref_squeeze %dma_wait3A_407 : memref<1x128x64xf32, #tpu.memory_space<hbm>> -> memref<128x64xf32, #tpu.memory_space<hbm>>
      tpu.wait_dma2 semaphore(%arg23 : memref<!tpu.dma_semaphore, #tpu.memory_space<semaphore_mem>>) src(%arg16 : memref<128x64xf32, #tpu.memory_space<vmem>>) dst(%dma_wait3A_408 : memref<128x64xf32, #tpu.memory_space<hbm>>)
      %add3A_409 = arith.constant 8 : i32
      %add3A_410 = arith.addi %mul3A_248, %add3A_409 : i32
      %add3A_411 = arith.constant 3 : i32
      %add3A_412 = arith.addi %add3A_410, %add3A_411 : i32
      %dma_start3A_413 = tpu.memref_slice %arg2[%add3A_412, %multiple_of3A] : memref<200x4096xi32, #tpu.memory_space<hbm>> -> memref<1x128xi32, #tpu.memory_space<hbm>>
      %dma_start3A_414 = tpu.memref_squeeze %dma_start3A_413 : memref<1x128xi32, #tpu.memory_space<hbm>> -> memref<128xi32, #tpu.memory_space<hbm>>
      %dma_start3A_415 = tpu.memref_slice %arg2[%add3A_412, %multiple_of3A] : memref<200x4096xi32, #tpu.memory_space<hbm>> -> memref<1x128xi32, #tpu.memory_space<hbm>>
      %dma_start3A_416 = tpu.memref_squeeze %dma_start3A_415 : memref<1x128xi32, #tpu.memory_space<hbm>> -> memref<128xi32, #tpu.memory_space<hbm>>
      tpu.enqueue_dma source(%dma_start3A_416 : memref<128xi32, #tpu.memory_space<hbm>>) target(%arg8 : memref<128xi32, #tpu.memory_space<vmem>>) target_semaphore(%arg21 : memref<!tpu.dma_semaphore, #tpu.memory_space<semaphore_mem>>)
      %add3A_417 = arith.constant 4 : i32
      %add3A_418 = arith.addi %mul3A_248, %add3A_417 : i32
      %dma_wait3A_419 = arith.constant 0 : i32
      %dma_wait3A_420 = tpu.memref_slice %arg4[%add3A_418, %multiple_of3A, %dma_wait3A_419] : memref<200x4096x64xf32, #tpu.memory_space<hbm>> -> memref<1x128x64xf32, #tpu.memory_space<hbm>>
      %dma_wait3A_421 = tpu.memref_squeeze %dma_wait3A_420 : memref<1x128x64xf32, #tpu.memory_space<hbm>> -> memref<128x64xf32, #tpu.memory_space<hbm>>
      %dma_wait3A_422 = arith.constant 0 : i32
      %dma_wait3A_423 = tpu.memref_slice %arg4[%add3A_418, %multiple_of3A, %dma_wait3A_422] : memref<200x4096x64xf32, #tpu.memory_space<hbm>> -> memref<1x128x64xf32, #tpu.memory_space<hbm>>
      %dma_wait3A_424 = tpu.memref_squeeze %dma_wait3A_423 : memref<1x128x64xf32, #tpu.memory_space<hbm>> -> memref<128x64xf32, #tpu.memory_space<hbm>>
      tpu.wait_dma2 semaphore(%arg23 : memref<!tpu.dma_semaphore, #tpu.memory_space<semaphore_mem>>) src(%arg17 : memref<128x64xf32, #tpu.memory_space<vmem>>) dst(%dma_wait3A_424 : memref<128x64xf32, #tpu.memory_space<hbm>>)
      %add3A_425 = arith.constant 8 : i32
      %add3A_426 = arith.addi %mul3A_248, %add3A_425 : i32
      %add3A_427 = arith.constant 4 : i32
      %add3A_428 = arith.addi %add3A_426, %add3A_427 : i32
      %dma_start3A_429 = tpu.memref_slice %arg2[%add3A_428, %multiple_of3A] : memref<200x4096xi32, #tpu.memory_space<hbm>> -> memref<1x128xi32, #tpu.memory_space<hbm>>
      %dma_start3A_430 = tpu.memref_squeeze %dma_start3A_429 : memref<1x128xi32, #tpu.memory_space<hbm>> -> memref<128xi32, #tpu.memory_space<hbm>>
      %dma_start3A_431 = tpu.memref_slice %arg2[%add3A_428, %multiple_of3A] : memref<200x4096xi32, #tpu.memory_space<hbm>> -> memref<1x128xi32, #tpu.memory_space<hbm>>
      %dma_start3A_432 = tpu.memref_squeeze %dma_start3A_431 : memref<1x128xi32, #tpu.memory_space<hbm>> -> memref<128xi32, #tpu.memory_space<hbm>>
      tpu.enqueue_dma source(%dma_start3A_432 : memref<128xi32, #tpu.memory_space<hbm>>) target(%arg9 : memref<128xi32, #tpu.memory_space<vmem>>) target_semaphore(%arg21 : memref<!tpu.dma_semaphore, #tpu.memory_space<semaphore_mem>>)
      %add3A_433 = arith.constant 5 : i32
      %add3A_434 = arith.addi %mul3A_248, %add3A_433 : i32
      %dma_wait3A_435 = arith.constant 0 : i32
      %dma_wait3A_436 = tpu.memref_slice %arg4[%add3A_434, %multiple_of3A, %dma_wait3A_435] : memref<200x4096x64xf32, #tpu.memory_space<hbm>> -> memref<1x128x64xf32, #tpu.memory_space<hbm>>
      %dma_wait3A_437 = tpu.memref_squeeze %dma_wait3A_436 : memref<1x128x64xf32, #tpu.memory_space<hbm>> -> memref<128x64xf32, #tpu.memory_space<hbm>>
      %dma_wait3A_438 = arith.constant 0 : i32
      %dma_wait3A_439 = tpu.memref_slice %arg4[%add3A_434, %multiple_of3A, %dma_wait3A_438] : memref<200x4096x64xf32, #tpu.memory_space<hbm>> -> memref<1x128x64xf32, #tpu.memory_space<hbm>>
      %dma_wait3A_440 = tpu.memref_squeeze %dma_wait3A_439 : memref<1x128x64xf32, #tpu.memory_space<hbm>> -> memref<128x64xf32, #tpu.memory_space<hbm>>
      tpu.wait_dma2 semaphore(%arg23 : memref<!tpu.dma_semaphore, #tpu.memory_space<semaphore_mem>>) src(%arg18 : memref<128x64xf32, #tpu.memory_space<vmem>>) dst(%dma_wait3A_440 : memref<128x64xf32, #tpu.memory_space<hbm>>)
      %add3A_441 = arith.constant 8 : i32
      %add3A_442 = arith.addi %mul3A_248, %add3A_441 : i32
      %add3A_443 = arith.constant 5 : i32
      %add3A_444 = arith.addi %add3A_442, %add3A_443 : i32
      %dma_start3A_445 = tpu.memref_slice %arg2[%add3A_444, %multiple_of3A] : memref<200x4096xi32, #tpu.memory_space<hbm>> -> memref<1x128xi32, #tpu.memory_space<hbm>>
      %dma_start3A_446 = tpu.memref_squeeze %dma_start3A_445 : memref<1x128xi32, #tpu.memory_space<hbm>> -> memref<128xi32, #tpu.memory_space<hbm>>
      %dma_start3A_447 = tpu.memref_slice %arg2[%add3A_444, %multiple_of3A] : memref<200x4096xi32, #tpu.memory_space<hbm>> -> memref<1x128xi32, #tpu.memory_space<hbm>>
      %dma_start3A_448 = tpu.memref_squeeze %dma_start3A_447 : memref<1x128xi32, #tpu.memory_space<hbm>> -> memref<128xi32, #tpu.memory_space<hbm>>
      tpu.enqueue_dma source(%dma_start3A_448 : memref<128xi32, #tpu.memory_space<hbm>>) target(%arg10 : memref<128xi32, #tpu.memory_space<vmem>>) target_semaphore(%arg21 : memref<!tpu.dma_semaphore, #tpu.memory_space<semaphore_mem>>)
      %add3A_449 = arith.constant 6 : i32
      %add3A_450 = arith.addi %mul3A_248, %add3A_449 : i32
      %dma_wait3A_451 = arith.constant 0 : i32
      %dma_wait3A_452 = tpu.memref_slice %arg4[%add3A_450, %multiple_of3A, %dma_wait3A_451] : memref<200x4096x64xf32, #tpu.memory_space<hbm>> -> memref<1x128x64xf32, #tpu.memory_space<hbm>>
      %dma_wait3A_453 = tpu.memref_squeeze %dma_wait3A_452 : memref<1x128x64xf32, #tpu.memory_space<hbm>> -> memref<128x64xf32, #tpu.memory_space<hbm>>
      %dma_wait3A_454 = arith.constant 0 : i32
      %dma_wait3A_455 = tpu.memref_slice %arg4[%add3A_450, %multiple_of3A, %dma_wait3A_454] : memref<200x4096x64xf32, #tpu.memory_space<hbm>> -> memref<1x128x64xf32, #tpu.memory_space<hbm>>
      %dma_wait3A_456 = tpu.memref_squeeze %dma_wait3A_455 : memref<1x128x64xf32, #tpu.memory_space<hbm>> -> memref<128x64xf32, #tpu.memory_space<hbm>>
      tpu.wait_dma2 semaphore(%arg23 : memref<!tpu.dma_semaphore, #tpu.memory_space<semaphore_mem>>) src(%arg19 : memref<128x64xf32, #tpu.memory_space<vmem>>) dst(%dma_wait3A_456 : memref<128x64xf32, #tpu.memory_space<hbm>>)
      %add3A_457 = arith.constant 8 : i32
      %add3A_458 = arith.addi %mul3A_248, %add3A_457 : i32
      %add3A_459 = arith.constant 6 : i32
      %add3A_460 = arith.addi %add3A_458, %add3A_459 : i32
      %dma_start3A_461 = tpu.memref_slice %arg2[%add3A_460, %multiple_of3A] : memref<200x4096xi32, #tpu.memory_space<hbm>> -> memref<1x128xi32, #tpu.memory_space<hbm>>
      %dma_start3A_462 = tpu.memref_squeeze %dma_start3A_461 : memref<1x128xi32, #tpu.memory_space<hbm>> -> memref<128xi32, #tpu.memory_space<hbm>>
      %dma_start3A_463 = tpu.memref_slice %arg2[%add3A_460, %multiple_of3A] : memref<200x4096xi32, #tpu.memory_space<hbm>> -> memref<1x128xi32, #tpu.memory_space<hbm>>
      %dma_start3A_464 = tpu.memref_squeeze %dma_start3A_463 : memref<1x128xi32, #tpu.memory_space<hbm>> -> memref<128xi32, #tpu.memory_space<hbm>>
      tpu.enqueue_dma source(%dma_start3A_464 : memref<128xi32, #tpu.memory_space<hbm>>) target(%arg11 : memref<128xi32, #tpu.memory_space<vmem>>) target_semaphore(%arg21 : memref<!tpu.dma_semaphore, #tpu.memory_space<semaphore_mem>>)
      %add3A_465 = arith.constant 7 : i32
      %add3A_466 = arith.addi %mul3A_248, %add3A_465 : i32
      %dma_wait3A_467 = arith.constant 0 : i32
      %dma_wait3A_468 = tpu.memref_slice %arg4[%add3A_466, %multiple_of3A, %dma_wait3A_467] : memref<200x4096x64xf32, #tpu.memory_space<hbm>> -> memref<1x128x64xf32, #tpu.memory_space<hbm>>
      %dma_wait3A_469 = tpu.memref_squeeze %dma_wait3A_468 : memref<1x128x64xf32, #tpu.memory_space<hbm>> -> memref<128x64xf32, #tpu.memory_space<hbm>>
      %dma_wait3A_470 = arith.constant 0 : i32
      %dma_wait3A_471 = tpu.memref_slice %arg4[%add3A_466, %multiple_of3A, %dma_wait3A_470] : memref<200x4096x64xf32, #tpu.memory_space<hbm>> -> memref<1x128x64xf32, #tpu.memory_space<hbm>>
      %dma_wait3A_472 = tpu.memref_squeeze %dma_wait3A_471 : memref<1x128x64xf32, #tpu.memory_space<hbm>> -> memref<128x64xf32, #tpu.memory_space<hbm>>
      tpu.wait_dma2 semaphore(%arg23 : memref<!tpu.dma_semaphore, #tpu.memory_space<semaphore_mem>>) src(%arg20 : memref<128x64xf32, #tpu.memory_space<vmem>>) dst(%dma_wait3A_472 : memref<128x64xf32, #tpu.memory_space<hbm>>)
      %add3A_473 = arith.constant 8 : i32
      %add3A_474 = arith.addi %mul3A_248, %add3A_473 : i32
      %add3A_475 = arith.constant 7 : i32
      %add3A_476 = arith.addi %add3A_474, %add3A_475 : i32
      %dma_start3A_477 = tpu.memref_slice %arg2[%add3A_476, %multiple_of3A] : memref<200x4096xi32, #tpu.memory_space<hbm>> -> memref<1x128xi32, #tpu.memory_space<hbm>>
      %dma_start3A_478 = tpu.memref_squeeze %dma_start3A_477 : memref<1x128xi32, #tpu.memory_space<hbm>> -> memref<128xi32, #tpu.memory_space<hbm>>
      %dma_start3A_479 = tpu.memref_slice %arg2[%add3A_476, %multiple_of3A] : memref<200x4096xi32, #tpu.memory_space<hbm>> -> memref<1x128xi32, #tpu.memory_space<hbm>>
      %dma_start3A_480 = tpu.memref_squeeze %dma_start3A_479 : memref<1x128xi32, #tpu.memory_space<hbm>> -> memref<128xi32, #tpu.memory_space<hbm>>
      tpu.enqueue_dma source(%dma_start3A_480 : memref<128xi32, #tpu.memory_space<hbm>>) target(%arg12 : memref<128xi32, #tpu.memory_space<vmem>>) target_semaphore(%arg21 : memref<!tpu.dma_semaphore, #tpu.memory_space<semaphore_mem>>)
      %add3A_481 = arith.constant 8 : i32
      %add3A_482 = arith.addi %mul3A_248, %add3A_481 : i32
      %add3A_483 = arith.constant 0 : i32
      %add3A_484 = arith.addi %add3A_482, %add3A_483 : i32
      %dma_wait3A_485 = tpu.memref_slice %arg2[%add3A_484, %multiple_of3A] : memref<200x4096xi32, #tpu.memory_space<hbm>> -> memref<1x128xi32, #tpu.memory_space<hbm>>
      %dma_wait3A_486 = tpu.memref_squeeze %dma_wait3A_485 : memref<1x128xi32, #tpu.memory_space<hbm>> -> memref<128xi32, #tpu.memory_space<hbm>>
      %dma_wait3A_487 = tpu.memref_slice %arg2[%add3A_484, %multiple_of3A] : memref<200x4096xi32, #tpu.memory_space<hbm>> -> memref<1x128xi32, #tpu.memory_space<hbm>>
      %dma_wait3A_488 = tpu.memref_squeeze %dma_wait3A_487 : memref<1x128xi32, #tpu.memory_space<hbm>> -> memref<128xi32, #tpu.memory_space<hbm>>
      tpu.wait_dma2 semaphore(%arg21 : memref<!tpu.dma_semaphore, #tpu.memory_space<semaphore_mem>>) src(%dma_wait3A_488 : memref<128xi32, #tpu.memory_space<hbm>>) dst(%arg5 : memref<128xi32, #tpu.memory_space<vmem>>)
      %add3A_489 = arith.constant 8 : i32
      %add3A_490 = arith.addi %mul3A_248, %add3A_489 : i32
      %add3A_491 = arith.constant 0 : i32
      %add3A_492 = arith.addi %add3A_490, %add3A_491 : i32
      %dma_start3A_493 = arith.constant 0 : i32
      %dma_start3A_494 = arith.constant 0 : i32
      %dma_start3A_495 = tpu.memref_slice %arg3[%dma_start3A_493, %dma_start3A_494] : memref<100000x64xf32, #tpu.memory_space<hbm>> -> memref<100000x64xf32, #tpu.memory_space<hbm>>
      tpu.enqueue_indirect_dma source(%dma_start3A_495 : memref<100000x64xf32, #tpu.memory_space<hbm>>) target(%arg13 : memref<128x64xf32, #tpu.memory_space<vmem>>) offsets(%arg5 : memref<128xi32, #tpu.memory_space<vmem>>) semaphore(%arg22 : memref<!tpu.dma_semaphore, #tpu.memory_space<semaphore_mem>>)
      %add3A_496 = arith.constant 8 : i32
      %add3A_497 = arith.addi %mul3A_248, %add3A_496 : i32
      %add3A_498 = arith.constant 1 : i32
      %add3A_499 = arith.addi %add3A_497, %add3A_498 : i32
      %dma_wait3A_500 = tpu.memref_slice %arg2[%add3A_499, %multiple_of3A] : memref<200x4096xi32, #tpu.memory_space<hbm>> -> memref<1x128xi32, #tpu.memory_space<hbm>>
      %dma_wait3A_501 = tpu.memref_squeeze %dma_wait3A_500 : memref<1x128xi32, #tpu.memory_space<hbm>> -> memref<128xi32, #tpu.memory_space<hbm>>
      %dma_wait3A_502 = tpu.memref_slice %arg2[%add3A_499, %multiple_of3A] : memref<200x4096xi32, #tpu.memory_space<hbm>> -> memref<1x128xi32, #tpu.memory_space<hbm>>
      %dma_wait3A_503 = tpu.memref_squeeze %dma_wait3A_502 : memref<1x128xi32, #tpu.memory_space<hbm>> -> memref<128xi32, #tpu.memory_space<hbm>>
      tpu.wait_dma2 semaphore(%arg21 : memref<!tpu.dma_semaphore, #tpu.memory_space<semaphore_mem>>) src(%dma_wait3A_503 : memref<128xi32, #tpu.memory_space<hbm>>) dst(%arg6 : memref<128xi32, #tpu.memory_space<vmem>>)
      %add3A_504 = arith.constant 8 : i32
      %add3A_505 = arith.addi %mul3A_248, %add3A_504 : i32
      %add3A_506 = arith.constant 1 : i32
      %add3A_507 = arith.addi %add3A_505, %add3A_506 : i32
      %dma_start3A_508 = arith.constant 0 : i32
      %dma_start3A_509 = arith.constant 0 : i32
      %dma_start3A_510 = tpu.memref_slice %arg3[%dma_start3A_508, %dma_start3A_509] : memref<100000x64xf32, #tpu.memory_space<hbm>> -> memref<100000x64xf32, #tpu.memory_space<hbm>>
      tpu.enqueue_indirect_dma source(%dma_start3A_510 : memref<100000x64xf32, #tpu.memory_space<hbm>>) target(%arg14 : memref<128x64xf32, #tpu.memory_space<vmem>>) offsets(%arg6 : memref<128xi32, #tpu.memory_space<vmem>>) semaphore(%arg22 : memref<!tpu.dma_semaphore, #tpu.memory_space<semaphore_mem>>)
      %add3A_511 = arith.constant 8 : i32
      %add3A_512 = arith.addi %mul3A_248, %add3A_511 : i32
      %add3A_513 = arith.constant 2 : i32
      %add3A_514 = arith.addi %add3A_512, %add3A_513 : i32
      %dma_wait3A_515 = tpu.memref_slice %arg2[%add3A_514, %multiple_of3A] : memref<200x4096xi32, #tpu.memory_space<hbm>> -> memref<1x128xi32, #tpu.memory_space<hbm>>
      %dma_wait3A_516 = tpu.memref_squeeze %dma_wait3A_515 : memref<1x128xi32, #tpu.memory_space<hbm>> -> memref<128xi32, #tpu.memory_space<hbm>>
      %dma_wait3A_517 = tpu.memref_slice %arg2[%add3A_514, %multiple_of3A] : memref<200x4096xi32, #tpu.memory_space<hbm>> -> memref<1x128xi32, #tpu.memory_space<hbm>>
      %dma_wait3A_518 = tpu.memref_squeeze %dma_wait3A_517 : memref<1x128xi32, #tpu.memory_space<hbm>> -> memref<128xi32, #tpu.memory_space<hbm>>
      tpu.wait_dma2 semaphore(%arg21 : memref<!tpu.dma_semaphore, #tpu.memory_space<semaphore_mem>>) src(%dma_wait3A_518 : memref<128xi32, #tpu.memory_space<hbm>>) dst(%arg7 : memref<128xi32, #tpu.memory_space<vmem>>)
      %add3A_519 = arith.constant 8 : i32
      %add3A_520 = arith.addi %mul3A_248, %add3A_519 : i32
      %add3A_521 = arith.constant 2 : i32
      %add3A_522 = arith.addi %add3A_520, %add3A_521 : i32
      %dma_start3A_523 = arith.constant 0 : i32
      %dma_start3A_524 = arith.constant 0 : i32
      %dma_start3A_525 = tpu.memref_slice %arg3[%dma_start3A_523, %dma_start3A_524] : memref<100000x64xf32, #tpu.memory_space<hbm>> -> memref<100000x64xf32, #tpu.memory_space<hbm>>
      tpu.enqueue_indirect_dma source(%dma_start3A_525 : memref<100000x64xf32, #tpu.memory_space<hbm>>) target(%arg15 : memref<128x64xf32, #tpu.memory_space<vmem>>) offsets(%arg7 : memref<128xi32, #tpu.memory_space<vmem>>) semaphore(%arg22 : memref<!tpu.dma_semaphore, #tpu.memory_space<semaphore_mem>>)
      %add3A_526 = arith.constant 8 : i32
      %add3A_527 = arith.addi %mul3A_248, %add3A_526 : i32
      %add3A_528 = arith.constant 3 : i32
      %add3A_529 = arith.addi %add3A_527, %add3A_528 : i32
      %dma_wait3A_530 = tpu.memref_slice %arg2[%add3A_529, %multiple_of3A] : memref<200x4096xi32, #tpu.memory_space<hbm>> -> memref<1x128xi32, #tpu.memory_space<hbm>>
      %dma_wait3A_531 = tpu.memref_squeeze %dma_wait3A_530 : memref<1x128xi32, #tpu.memory_space<hbm>> -> memref<128xi32, #tpu.memory_space<hbm>>
      %dma_wait3A_532 = tpu.memref_slice %arg2[%add3A_529, %multiple_of3A] : memref<200x4096xi32, #tpu.memory_space<hbm>> -> memref<1x128xi32, #tpu.memory_space<hbm>>
      %dma_wait3A_533 = tpu.memref_squeeze %dma_wait3A_532 : memref<1x128xi32, #tpu.memory_space<hbm>> -> memref<128xi32, #tpu.memory_space<hbm>>
      tpu.wait_dma2 semaphore(%arg21 : memref<!tpu.dma_semaphore, #tpu.memory_space<semaphore_mem>>) src(%dma_wait3A_533 : memref<128xi32, #tpu.memory_space<hbm>>) dst(%arg8 : memref<128xi32, #tpu.memory_space<vmem>>)
      %add3A_534 = arith.constant 8 : i32
      %add3A_535 = arith.addi %mul3A_248, %add3A_534 : i32
      %add3A_536 = arith.constant 3 : i32
      %add3A_537 = arith.addi %add3A_535, %add3A_536 : i32
      %dma_start3A_538 = arith.constant 0 : i32
      %dma_start3A_539 = arith.constant 0 : i32
      %dma_start3A_540 = tpu.memref_slice %arg3[%dma_start3A_538, %dma_start3A_539] : memref<100000x64xf32, #tpu.memory_space<hbm>> -> memref<100000x64xf32, #tpu.memory_space<hbm>>
      tpu.enqueue_indirect_dma source(%dma_start3A_540 : memref<100000x64xf32, #tpu.memory_space<hbm>>) target(%arg16 : memref<128x64xf32, #tpu.memory_space<vmem>>) offsets(%arg8 : memref<128xi32, #tpu.memory_space<vmem>>) semaphore(%arg22 : memref<!tpu.dma_semaphore, #tpu.memory_space<semaphore_mem>>)
      %add3A_541 = arith.constant 8 : i32
      %add3A_542 = arith.addi %mul3A_248, %add3A_541 : i32
      %add3A_543 = arith.constant 4 : i32
      %add3A_544 = arith.addi %add3A_542, %add3A_543 : i32
      %dma_wait3A_545 = tpu.memref_slice %arg2[%add3A_544, %multiple_of3A] : memref<200x4096xi32, #tpu.memory_space<hbm>> -> memref<1x128xi32, #tpu.memory_space<hbm>>
      %dma_wait3A_546 = tpu.memref_squeeze %dma_wait3A_545 : memref<1x128xi32, #tpu.memory_space<hbm>> -> memref<128xi32, #tpu.memory_space<hbm>>
      %dma_wait3A_547 = tpu.memref_slice %arg2[%add3A_544, %multiple_of3A] : memref<200x4096xi32, #tpu.memory_space<hbm>> -> memref<1x128xi32, #tpu.memory_space<hbm>>
      %dma_wait3A_548 = tpu.memref_squeeze %dma_wait3A_547 : memref<1x128xi32, #tpu.memory_space<hbm>> -> memref<128xi32, #tpu.memory_space<hbm>>
      tpu.wait_dma2 semaphore(%arg21 : memref<!tpu.dma_semaphore, #tpu.memory_space<semaphore_mem>>) src(%dma_wait3A_548 : memref<128xi32, #tpu.memory_space<hbm>>) dst(%arg9 : memref<128xi32, #tpu.memory_space<vmem>>)
      %add3A_549 = arith.constant 8 : i32
      %add3A_550 = arith.addi %mul3A_248, %add3A_549 : i32
      %add3A_551 = arith.constant 4 : i32
      %add3A_552 = arith.addi %add3A_550, %add3A_551 : i32
      %dma_start3A_553 = arith.constant 0 : i32
      %dma_start3A_554 = arith.constant 0 : i32
      %dma_start3A_555 = tpu.memref_slice %arg3[%dma_start3A_553, %dma_start3A_554] : memref<100000x64xf32, #tpu.memory_space<hbm>> -> memref<100000x64xf32, #tpu.memory_space<hbm>>
      tpu.enqueue_indirect_dma source(%dma_start3A_555 : memref<100000x64xf32, #tpu.memory_space<hbm>>) target(%arg17 : memref<128x64xf32, #tpu.memory_space<vmem>>) offsets(%arg9 : memref<128xi32, #tpu.memory_space<vmem>>) semaphore(%arg22 : memref<!tpu.dma_semaphore, #tpu.memory_space<semaphore_mem>>)
      %add3A_556 = arith.constant 8 : i32
      %add3A_557 = arith.addi %mul3A_248, %add3A_556 : i32
      %add3A_558 = arith.constant 5 : i32
      %add3A_559 = arith.addi %add3A_557, %add3A_558 : i32
      %dma_wait3A_560 = tpu.memref_slice %arg2[%add3A_559, %multiple_of3A] : memref<200x4096xi32, #tpu.memory_space<hbm>> -> memref<1x128xi32, #tpu.memory_space<hbm>>
      %dma_wait3A_561 = tpu.memref_squeeze %dma_wait3A_560 : memref<1x128xi32, #tpu.memory_space<hbm>> -> memref<128xi32, #tpu.memory_space<hbm>>
      %dma_wait3A_562 = tpu.memref_slice %arg2[%add3A_559, %multiple_of3A] : memref<200x4096xi32, #tpu.memory_space<hbm>> -> memref<1x128xi32, #tpu.memory_space<hbm>>
      %dma_wait3A_563 = tpu.memref_squeeze %dma_wait3A_562 : memref<1x128xi32, #tpu.memory_space<hbm>> -> memref<128xi32, #tpu.memory_space<hbm>>
      tpu.wait_dma2 semaphore(%arg21 : memref<!tpu.dma_semaphore, #tpu.memory_space<semaphore_mem>>) src(%dma_wait3A_563 : memref<128xi32, #tpu.memory_space<hbm>>) dst(%arg10 : memref<128xi32, #tpu.memory_space<vmem>>)
      %add3A_564 = arith.constant 8 : i32
      %add3A_565 = arith.addi %mul3A_248, %add3A_564 : i32
      %add3A_566 = arith.constant 5 : i32
      %add3A_567 = arith.addi %add3A_565, %add3A_566 : i32
      %dma_start3A_568 = arith.constant 0 : i32
      %dma_start3A_569 = arith.constant 0 : i32
      %dma_start3A_570 = tpu.memref_slice %arg3[%dma_start3A_568, %dma_start3A_569] : memref<100000x64xf32, #tpu.memory_space<hbm>> -> memref<100000x64xf32, #tpu.memory_space<hbm>>
      tpu.enqueue_indirect_dma source(%dma_start3A_570 : memref<100000x64xf32, #tpu.memory_space<hbm>>) target(%arg18 : memref<128x64xf32, #tpu.memory_space<vmem>>) offsets(%arg10 : memref<128xi32, #tpu.memory_space<vmem>>) semaphore(%arg22 : memref<!tpu.dma_semaphore, #tpu.memory_space<semaphore_mem>>)
      %add3A_571 = arith.constant 8 : i32
      %add3A_572 = arith.addi %mul3A_248, %add3A_571 : i32
      %add3A_573 = arith.constant 6 : i32
      %add3A_574 = arith.addi %add3A_572, %add3A_573 : i32
      %dma_wait3A_575 = tpu.memref_slice %arg2[%add3A_574, %multiple_of3A] : memref<200x4096xi32, #tpu.memory_space<hbm>> -> memref<1x128xi32, #tpu.memory_space<hbm>>
      %dma_wait3A_576 = tpu.memref_squeeze %dma_wait3A_575 : memref<1x128xi32, #tpu.memory_space<hbm>> -> memref<128xi32, #tpu.memory_space<hbm>>
      %dma_wait3A_577 = tpu.memref_slice %arg2[%add3A_574, %multiple_of3A] : memref<200x4096xi32, #tpu.memory_space<hbm>> -> memref<1x128xi32, #tpu.memory_space<hbm>>
      %dma_wait3A_578 = tpu.memref_squeeze %dma_wait3A_577 : memref<1x128xi32, #tpu.memory_space<hbm>> -> memref<128xi32, #tpu.memory_space<hbm>>
      tpu.wait_dma2 semaphore(%arg21 : memref<!tpu.dma_semaphore, #tpu.memory_space<semaphore_mem>>) src(%dma_wait3A_578 : memref<128xi32, #tpu.memory_space<hbm>>) dst(%arg11 : memref<128xi32, #tpu.memory_space<vmem>>)
      %add3A_579 = arith.constant 8 : i32
      %add3A_580 = arith.addi %mul3A_248, %add3A_579 : i32
      %add3A_581 = arith.constant 6 : i32
      %add3A_582 = arith.addi %add3A_580, %add3A_581 : i32
      %dma_start3A_583 = arith.constant 0 : i32
      %dma_start3A_584 = arith.constant 0 : i32
      %dma_start3A_585 = tpu.memref_slice %arg3[%dma_start3A_583, %dma_start3A_584] : memref<100000x64xf32, #tpu.memory_space<hbm>> -> memref<100000x64xf32, #tpu.memory_space<hbm>>
      tpu.enqueue_indirect_dma source(%dma_start3A_585 : memref<100000x64xf32, #tpu.memory_space<hbm>>) target(%arg19 : memref<128x64xf32, #tpu.memory_space<vmem>>) offsets(%arg11 : memref<128xi32, #tpu.memory_space<vmem>>) semaphore(%arg22 : memref<!tpu.dma_semaphore, #tpu.memory_space<semaphore_mem>>)
      %add3A_586 = arith.constant 8 : i32
      %add3A_587 = arith.addi %mul3A_248, %add3A_586 : i32
      %add3A_588 = arith.constant 7 : i32
      %add3A_589 = arith.addi %add3A_587, %add3A_588 : i32
      %dma_wait3A_590 = tpu.memref_slice %arg2[%add3A_589, %multiple_of3A] : memref<200x4096xi32, #tpu.memory_space<hbm>> -> memref<1x128xi32, #tpu.memory_space<hbm>>
      %dma_wait3A_591 = tpu.memref_squeeze %dma_wait3A_590 : memref<1x128xi32, #tpu.memory_space<hbm>> -> memref<128xi32, #tpu.memory_space<hbm>>
      %dma_wait3A_592 = tpu.memref_slice %arg2[%add3A_589, %multiple_of3A] : memref<200x4096xi32, #tpu.memory_space<hbm>> -> memref<1x128xi32, #tpu.memory_space<hbm>>
      %dma_wait3A_593 = tpu.memref_squeeze %dma_wait3A_592 : memref<1x128xi32, #tpu.memory_space<hbm>> -> memref<128xi32, #tpu.memory_space<hbm>>
      tpu.wait_dma2 semaphore(%arg21 : memref<!tpu.dma_semaphore, #tpu.memory_space<semaphore_mem>>) src(%dma_wait3A_593 : memref<128xi32, #tpu.memory_space<hbm>>) dst(%arg12 : memref<128xi32, #tpu.memory_space<vmem>>)
      %add3A_594 = arith.constant 8 : i32
      %add3A_595 = arith.addi %mul3A_248, %add3A_594 : i32
      %add3A_596 = arith.constant 7 : i32
      %add3A_597 = arith.addi %add3A_595, %add3A_596 : i32
      %dma_start3A_598 = arith.constant 0 : i32
      %dma_start3A_599 = arith.constant 0 : i32
      %dma_start3A_600 = tpu.memref_slice %arg3[%dma_start3A_598, %dma_start3A_599] : memref<100000x64xf32, #tpu.memory_space<hbm>> -> memref<100000x64xf32, #tpu.memory_space<hbm>>
      tpu.enqueue_indirect_dma source(%dma_start3A_600 : memref<100000x64xf32, #tpu.memory_space<hbm>>) target(%arg20 : memref<128x64xf32, #tpu.memory_space<vmem>>) offsets(%arg12 : memref<128xi32, #tpu.memory_space<vmem>>) semaphore(%arg22 : memref<!tpu.dma_semaphore, #tpu.memory_space<semaphore_mem>>)
    }
    %scan3A_109 = arith.constant 24 : i32
    %dma_wait3A_110 = arith.constant 0 : i32
    %dma_wait3A_111 = arith.constant 0 : i32
    %dma_wait3A_112 = tpu.memref_slice %arg3[%dma_wait3A_110, %dma_wait3A_111] : memref<100000x64xf32, #tpu.memory_space<hbm>> -> memref<100000x64xf32, #tpu.memory_space<hbm>>
    tpu.wait_indirect_dma semaphore(%arg22 : memref<!tpu.dma_semaphore, #tpu.memory_space<semaphore_mem>>) src(%dma_wait3A_112 : memref<100000x64xf32, #tpu.memory_space<hbm>>) dst(%arg13 : memref<128x64xf32, #tpu.memory_space<vmem>>)
    %dma_start3A_113 = arith.constant 192 : i32
    %dma_start3A_114 = arith.constant 0 : i32
    %dma_start3A_115 = tpu.memref_slice %arg4[%dma_start3A_113, %multiple_of3A, %dma_start3A_114] : memref<200x4096x64xf32, #tpu.memory_space<hbm>> -> memref<1x128x64xf32, #tpu.memory_space<hbm>>
    %dma_start3A_116 = tpu.memref_squeeze %dma_start3A_115 : memref<1x128x64xf32, #tpu.memory_space<hbm>> -> memref<128x64xf32, #tpu.memory_space<hbm>>
    %dma_start3A_117 = arith.constant 0 : i32
    %dma_start3A_118 = tpu.memref_slice %arg4[%dma_start3A_113, %multiple_of3A, %dma_start3A_117] : memref<200x4096x64xf32, #tpu.memory_space<hbm>> -> memref<1x128x64xf32, #tpu.memory_space<hbm>>
    %dma_start3A_119 = tpu.memref_squeeze %dma_start3A_118 : memref<1x128x64xf32, #tpu.memory_space<hbm>> -> memref<128x64xf32, #tpu.memory_space<hbm>>
    tpu.enqueue_dma source(%arg13 : memref<128x64xf32, #tpu.memory_space<vmem>>) target(%dma_start3A_119 : memref<128x64xf32, #tpu.memory_space<hbm>>) target_semaphore(%arg23 : memref<!tpu.dma_semaphore, #tpu.memory_space<semaphore_mem>>)
    %dma_wait3A_120 = arith.constant 0 : i32
    %dma_wait3A_121 = arith.constant 0 : i32
    %dma_wait3A_122 = tpu.memref_slice %arg3[%dma_wait3A_120, %dma_wait3A_121] : memref<100000x64xf32, #tpu.memory_space<hbm>> -> memref<100000x64xf32, #tpu.memory_space<hbm>>
    tpu.wait_indirect_dma semaphore(%arg22 : memref<!tpu.dma_semaphore, #tpu.memory_space<semaphore_mem>>) src(%dma_wait3A_122 : memref<100000x64xf32, #tpu.memory_space<hbm>>) dst(%arg14 : memref<128x64xf32, #tpu.memory_space<vmem>>)
    %dma_start3A_123 = arith.constant 193 : i32
    %dma_start3A_124 = arith.constant 0 : i32
    %dma_start3A_125 = tpu.memref_slice %arg4[%dma_start3A_123, %multiple_of3A, %dma_start3A_124] : memref<200x4096x64xf32, #tpu.memory_space<hbm>> -> memref<1x128x64xf32, #tpu.memory_space<hbm>>
    %dma_start3A_126 = tpu.memref_squeeze %dma_start3A_125 : memref<1x128x64xf32, #tpu.memory_space<hbm>> -> memref<128x64xf32, #tpu.memory_space<hbm>>
    %dma_start3A_127 = arith.constant 0 : i32
    %dma_start3A_128 = tpu.memref_slice %arg4[%dma_start3A_123, %multiple_of3A, %dma_start3A_127] : memref<200x4096x64xf32, #tpu.memory_space<hbm>> -> memref<1x128x64xf32, #tpu.memory_space<hbm>>
    %dma_start3A_129 = tpu.memref_squeeze %dma_start3A_128 : memref<1x128x64xf32, #tpu.memory_space<hbm>> -> memref<128x64xf32, #tpu.memory_space<hbm>>
    tpu.enqueue_dma source(%arg14 : memref<128x64xf32, #tpu.memory_space<vmem>>) target(%dma_start3A_129 : memref<128x64xf32, #tpu.memory_space<hbm>>) target_semaphore(%arg23 : memref<!tpu.dma_semaphore, #tpu.memory_space<semaphore_mem>>)
    %dma_wait3A_130 = arith.constant 0 : i32
    %dma_wait3A_131 = arith.constant 0 : i32
    %dma_wait3A_132 = tpu.memref_slice %arg3[%dma_wait3A_130, %dma_wait3A_131] : memref<100000x64xf32, #tpu.memory_space<hbm>> -> memref<100000x64xf32, #tpu.memory_space<hbm>>
    tpu.wait_indirect_dma semaphore(%arg22 : memref<!tpu.dma_semaphore, #tpu.memory_space<semaphore_mem>>) src(%dma_wait3A_132 : memref<100000x64xf32, #tpu.memory_space<hbm>>) dst(%arg15 : memref<128x64xf32, #tpu.memory_space<vmem>>)
    %dma_start3A_133 = arith.constant 194 : i32
    %dma_start3A_134 = arith.constant 0 : i32
    %dma_start3A_135 = tpu.memref_slice %arg4[%dma_start3A_133, %multiple_of3A, %dma_start3A_134] : memref<200x4096x64xf32, #tpu.memory_space<hbm>> -> memref<1x128x64xf32, #tpu.memory_space<hbm>>
    %dma_start3A_136 = tpu.memref_squeeze %dma_start3A_135 : memref<1x128x64xf32, #tpu.memory_space<hbm>> -> memref<128x64xf32, #tpu.memory_space<hbm>>
    %dma_start3A_137 = arith.constant 0 : i32
    %dma_start3A_138 = tpu.memref_slice %arg4[%dma_start3A_133, %multiple_of3A, %dma_start3A_137] : memref<200x4096x64xf32, #tpu.memory_space<hbm>> -> memref<1x128x64xf32, #tpu.memory_space<hbm>>
    %dma_start3A_139 = tpu.memref_squeeze %dma_start3A_138 : memref<1x128x64xf32, #tpu.memory_space<hbm>> -> memref<128x64xf32, #tpu.memory_space<hbm>>
    tpu.enqueue_dma source(%arg15 : memref<128x64xf32, #tpu.memory_space<vmem>>) target(%dma_start3A_139 : memref<128x64xf32, #tpu.memory_space<hbm>>) target_semaphore(%arg23 : memref<!tpu.dma_semaphore, #tpu.memory_space<semaphore_mem>>)
    %dma_wait3A_140 = arith.constant 0 : i32
    %dma_wait3A_141 = arith.constant 0 : i32
    %dma_wait3A_142 = tpu.memref_slice %arg3[%dma_wait3A_140, %dma_wait3A_141] : memref<100000x64xf32, #tpu.memory_space<hbm>> -> memref<100000x64xf32, #tpu.memory_space<hbm>>
    tpu.wait_indirect_dma semaphore(%arg22 : memref<!tpu.dma_semaphore, #tpu.memory_space<semaphore_mem>>) src(%dma_wait3A_142 : memref<100000x64xf32, #tpu.memory_space<hbm>>) dst(%arg16 : memref<128x64xf32, #tpu.memory_space<vmem>>)
    %dma_start3A_143 = arith.constant 195 : i32
    %dma_start3A_144 = arith.constant 0 : i32
    %dma_start3A_145 = tpu.memref_slice %arg4[%dma_start3A_143, %multiple_of3A, %dma_start3A_144] : memref<200x4096x64xf32, #tpu.memory_space<hbm>> -> memref<1x128x64xf32, #tpu.memory_space<hbm>>
    %dma_start3A_146 = tpu.memref_squeeze %dma_start3A_145 : memref<1x128x64xf32, #tpu.memory_space<hbm>> -> memref<128x64xf32, #tpu.memory_space<hbm>>
    %dma_start3A_147 = arith.constant 0 : i32
    %dma_start3A_148 = tpu.memref_slice %arg4[%dma_start3A_143, %multiple_of3A, %dma_start3A_147] : memref<200x4096x64xf32, #tpu.memory_space<hbm>> -> memref<1x128x64xf32, #tpu.memory_space<hbm>>
    %dma_start3A_149 = tpu.memref_squeeze %dma_start3A_148 : memref<1x128x64xf32, #tpu.memory_space<hbm>> -> memref<128x64xf32, #tpu.memory_space<hbm>>
    tpu.enqueue_dma source(%arg16 : memref<128x64xf32, #tpu.memory_space<vmem>>) target(%dma_start3A_149 : memref<128x64xf32, #tpu.memory_space<hbm>>) target_semaphore(%arg23 : memref<!tpu.dma_semaphore, #tpu.memory_space<semaphore_mem>>)
    %dma_wait3A_150 = arith.constant 0 : i32
    %dma_wait3A_151 = arith.constant 0 : i32
    %dma_wait3A_152 = tpu.memref_slice %arg3[%dma_wait3A_150, %dma_wait3A_151] : memref<100000x64xf32, #tpu.memory_space<hbm>> -> memref<100000x64xf32, #tpu.memory_space<hbm>>
    tpu.wait_indirect_dma semaphore(%arg22 : memref<!tpu.dma_semaphore, #tpu.memory_space<semaphore_mem>>) src(%dma_wait3A_152 : memref<100000x64xf32, #tpu.memory_space<hbm>>) dst(%arg17 : memref<128x64xf32, #tpu.memory_space<vmem>>)
    %dma_start3A_153 = arith.constant 196 : i32
    %dma_start3A_154 = arith.constant 0 : i32
    %dma_start3A_155 = tpu.memref_slice %arg4[%dma_start3A_153, %multiple_of3A, %dma_start3A_154] : memref<200x4096x64xf32, #tpu.memory_space<hbm>> -> memref<1x128x64xf32, #tpu.memory_space<hbm>>
    %dma_start3A_156 = tpu.memref_squeeze %dma_start3A_155 : memref<1x128x64xf32, #tpu.memory_space<hbm>> -> memref<128x64xf32, #tpu.memory_space<hbm>>
    %dma_start3A_157 = arith.constant 0 : i32
    %dma_start3A_158 = tpu.memref_slice %arg4[%dma_start3A_153, %multiple_of3A, %dma_start3A_157] : memref<200x4096x64xf32, #tpu.memory_space<hbm>> -> memref<1x128x64xf32, #tpu.memory_space<hbm>>
    %dma_start3A_159 = tpu.memref_squeeze %dma_start3A_158 : memref<1x128x64xf32, #tpu.memory_space<hbm>> -> memref<128x64xf32, #tpu.memory_space<hbm>>
    tpu.enqueue_dma source(%arg17 : memref<128x64xf32, #tpu.memory_space<vmem>>) target(%dma_start3A_159 : memref<128x64xf32, #tpu.memory_space<hbm>>) target_semaphore(%arg23 : memref<!tpu.dma_semaphore, #tpu.memory_space<semaphore_mem>>)
    %dma_wait3A_160 = arith.constant 0 : i32
    %dma_wait3A_161 = arith.constant 0 : i32
    %dma_wait3A_162 = tpu.memref_slice %arg3[%dma_wait3A_160, %dma_wait3A_161] : memref<100000x64xf32, #tpu.memory_space<hbm>> -> memref<100000x64xf32, #tpu.memory_space<hbm>>
    tpu.wait_indirect_dma semaphore(%arg22 : memref<!tpu.dma_semaphore, #tpu.memory_space<semaphore_mem>>) src(%dma_wait3A_162 : memref<100000x64xf32, #tpu.memory_space<hbm>>) dst(%arg18 : memref<128x64xf32, #tpu.memory_space<vmem>>)
    %dma_start3A_163 = arith.constant 197 : i32
    %dma_start3A_164 = arith.constant 0 : i32
    %dma_start3A_165 = tpu.memref_slice %arg4[%dma_start3A_163, %multiple_of3A, %dma_start3A_164] : memref<200x4096x64xf32, #tpu.memory_space<hbm>> -> memref<1x128x64xf32, #tpu.memory_space<hbm>>
    %dma_start3A_166 = tpu.memref_squeeze %dma_start3A_165 : memref<1x128x64xf32, #tpu.memory_space<hbm>> -> memref<128x64xf32, #tpu.memory_space<hbm>>
    %dma_start3A_167 = arith.constant 0 : i32
    %dma_start3A_168 = tpu.memref_slice %arg4[%dma_start3A_163, %multiple_of3A, %dma_start3A_167] : memref<200x4096x64xf32, #tpu.memory_space<hbm>> -> memref<1x128x64xf32, #tpu.memory_space<hbm>>
    %dma_start3A_169 = tpu.memref_squeeze %dma_start3A_168 : memref<1x128x64xf32, #tpu.memory_space<hbm>> -> memref<128x64xf32, #tpu.memory_space<hbm>>
    tpu.enqueue_dma source(%arg18 : memref<128x64xf32, #tpu.memory_space<vmem>>) target(%dma_start3A_169 : memref<128x64xf32, #tpu.memory_space<hbm>>) target_semaphore(%arg23 : memref<!tpu.dma_semaphore, #tpu.memory_space<semaphore_mem>>)
    %dma_wait3A_170 = arith.constant 0 : i32
    %dma_wait3A_171 = arith.constant 0 : i32
    %dma_wait3A_172 = tpu.memref_slice %arg3[%dma_wait3A_170, %dma_wait3A_171] : memref<100000x64xf32, #tpu.memory_space<hbm>> -> memref<100000x64xf32, #tpu.memory_space<hbm>>
    tpu.wait_indirect_dma semaphore(%arg22 : memref<!tpu.dma_semaphore, #tpu.memory_space<semaphore_mem>>) src(%dma_wait3A_172 : memref<100000x64xf32, #tpu.memory_space<hbm>>) dst(%arg19 : memref<128x64xf32, #tpu.memory_space<vmem>>)
    %dma_start3A_173 = arith.constant 198 : i32
    %dma_start3A_174 = arith.constant 0 : i32
    %dma_start3A_175 = tpu.memref_slice %arg4[%dma_start3A_173, %multiple_of3A, %dma_start3A_174] : memref<200x4096x64xf32, #tpu.memory_space<hbm>> -> memref<1x128x64xf32, #tpu.memory_space<hbm>>
    %dma_start3A_176 = tpu.memref_squeeze %dma_start3A_175 : memref<1x128x64xf32, #tpu.memory_space<hbm>> -> memref<128x64xf32, #tpu.memory_space<hbm>>
    %dma_start3A_177 = arith.constant 0 : i32
    %dma_start3A_178 = tpu.memref_slice %arg4[%dma_start3A_173, %multiple_of3A, %dma_start3A_177] : memref<200x4096x64xf32, #tpu.memory_space<hbm>> -> memref<1x128x64xf32, #tpu.memory_space<hbm>>
    %dma_start3A_179 = tpu.memref_squeeze %dma_start3A_178 : memref<1x128x64xf32, #tpu.memory_space<hbm>> -> memref<128x64xf32, #tpu.memory_space<hbm>>
    tpu.enqueue_dma source(%arg19 : memref<128x64xf32, #tpu.memory_space<vmem>>) target(%dma_start3A_179 : memref<128x64xf32, #tpu.memory_space<hbm>>) target_semaphore(%arg23 : memref<!tpu.dma_semaphore, #tpu.memory_space<semaphore_mem>>)
    %dma_wait3A_180 = arith.constant 0 : i32
    %dma_wait3A_181 = arith.constant 0 : i32
    %dma_wait3A_182 = tpu.memref_slice %arg3[%dma_wait3A_180, %dma_wait3A_181] : memref<100000x64xf32, #tpu.memory_space<hbm>> -> memref<100000x64xf32, #tpu.memory_space<hbm>>
    tpu.wait_indirect_dma semaphore(%arg22 : memref<!tpu.dma_semaphore, #tpu.memory_space<semaphore_mem>>) src(%dma_wait3A_182 : memref<100000x64xf32, #tpu.memory_space<hbm>>) dst(%arg20 : memref<128x64xf32, #tpu.memory_space<vmem>>)
    %dma_start3A_183 = arith.constant 199 : i32
    %dma_start3A_184 = arith.constant 0 : i32
    %dma_start3A_185 = tpu.memref_slice %arg4[%dma_start3A_183, %multiple_of3A, %dma_start3A_184] : memref<200x4096x64xf32, #tpu.memory_space<hbm>> -> memref<1x128x64xf32, #tpu.memory_space<hbm>>
    %dma_start3A_186 = tpu.memref_squeeze %dma_start3A_185 : memref<1x128x64xf32, #tpu.memory_space<hbm>> -> memref<128x64xf32, #tpu.memory_space<hbm>>
    %dma_start3A_187 = arith.constant 0 : i32
    %dma_start3A_188 = tpu.memref_slice %arg4[%dma_start3A_183, %multiple_of3A, %dma_start3A_187] : memref<200x4096x64xf32, #tpu.memory_space<hbm>> -> memref<1x128x64xf32, #tpu.memory_space<hbm>>
    %dma_start3A_189 = tpu.memref_squeeze %dma_start3A_188 : memref<1x128x64xf32, #tpu.memory_space<hbm>> -> memref<128x64xf32, #tpu.memory_space<hbm>>
    tpu.enqueue_dma source(%arg20 : memref<128x64xf32, #tpu.memory_space<vmem>>) target(%dma_start3A_189 : memref<128x64xf32, #tpu.memory_space<hbm>>) target_semaphore(%arg23 : memref<!tpu.dma_semaphore, #tpu.memory_space<semaphore_mem>>)
    %dma_wait3A_190 = arith.constant 192 : i32
    %dma_wait3A_191 = arith.constant 0 : i32
    %dma_wait3A_192 = tpu.memref_slice %arg4[%dma_wait3A_190, %multiple_of3A, %dma_wait3A_191] : memref<200x4096x64xf32, #tpu.memory_space<hbm>> -> memref<1x128x64xf32, #tpu.memory_space<hbm>>
    %dma_wait3A_193 = tpu.memref_squeeze %dma_wait3A_192 : memref<1x128x64xf32, #tpu.memory_space<hbm>> -> memref<128x64xf32, #tpu.memory_space<hbm>>
    %dma_wait3A_194 = arith.constant 0 : i32
    %dma_wait3A_195 = tpu.memref_slice %arg4[%dma_wait3A_190, %multiple_of3A, %dma_wait3A_194] : memref<200x4096x64xf32, #tpu.memory_space<hbm>> -> memref<1x128x64xf32, #tpu.memory_space<hbm>>
    %dma_wait3A_196 = tpu.memref_squeeze %dma_wait3A_195 : memref<1x128x64xf32, #tpu.memory_space<hbm>> -> memref<128x64xf32, #tpu.memory_space<hbm>>
    tpu.wait_dma2 semaphore(%arg23 : memref<!tpu.dma_semaphore, #tpu.memory_space<semaphore_mem>>) src(%arg13 : memref<128x64xf32, #tpu.memory_space<vmem>>) dst(%dma_wait3A_196 : memref<128x64xf32, #tpu.memory_space<hbm>>)
    %dma_wait3A_197 = arith.constant 193 : i32
    %dma_wait3A_198 = arith.constant 0 : i32
    %dma_wait3A_199 = tpu.memref_slice %arg4[%dma_wait3A_197, %multiple_of3A, %dma_wait3A_198] : memref<200x4096x64xf32, #tpu.memory_space<hbm>> -> memref<1x128x64xf32, #tpu.memory_space<hbm>>
    %dma_wait3A_200 = tpu.memref_squeeze %dma_wait3A_199 : memref<1x128x64xf32, #tpu.memory_space<hbm>> -> memref<128x64xf32, #tpu.memory_space<hbm>>
    %dma_wait3A_201 = arith.constant 0 : i32
    %dma_wait3A_202 = tpu.memref_slice %arg4[%dma_wait3A_197, %multiple_of3A, %dma_wait3A_201] : memref<200x4096x64xf32, #tpu.memory_space<hbm>> -> memref<1x128x64xf32, #tpu.memory_space<hbm>>
    %dma_wait3A_203 = tpu.memref_squeeze %dma_wait3A_202 : memref<1x128x64xf32, #tpu.memory_space<hbm>> -> memref<128x64xf32, #tpu.memory_space<hbm>>
    tpu.wait_dma2 semaphore(%arg23 : memref<!tpu.dma_semaphore, #tpu.memory_space<semaphore_mem>>) src(%arg14 : memref<128x64xf32, #tpu.memory_space<vmem>>) dst(%dma_wait3A_203 : memref<128x64xf32, #tpu.memory_space<hbm>>)
    %dma_wait3A_204 = arith.constant 194 : i32
    %dma_wait3A_205 = arith.constant 0 : i32
    %dma_wait3A_206 = tpu.memref_slice %arg4[%dma_wait3A_204, %multiple_of3A, %dma_wait3A_205] : memref<200x4096x64xf32, #tpu.memory_space<hbm>> -> memref<1x128x64xf32, #tpu.memory_space<hbm>>
    %dma_wait3A_207 = tpu.memref_squeeze %dma_wait3A_206 : memref<1x128x64xf32, #tpu.memory_space<hbm>> -> memref<128x64xf32, #tpu.memory_space<hbm>>
    %dma_wait3A_208 = arith.constant 0 : i32
    %dma_wait3A_209 = tpu.memref_slice %arg4[%dma_wait3A_204, %multiple_of3A, %dma_wait3A_208] : memref<200x4096x64xf32, #tpu.memory_space<hbm>> -> memref<1x128x64xf32, #tpu.memory_space<hbm>>
    %dma_wait3A_210 = tpu.memref_squeeze %dma_wait3A_209 : memref<1x128x64xf32, #tpu.memory_space<hbm>> -> memref<128x64xf32, #tpu.memory_space<hbm>>
    tpu.wait_dma2 semaphore(%arg23 : memref<!tpu.dma_semaphore, #tpu.memory_space<semaphore_mem>>) src(%arg15 : memref<128x64xf32, #tpu.memory_space<vmem>>) dst(%dma_wait3A_210 : memref<128x64xf32, #tpu.memory_space<hbm>>)
    %dma_wait3A_211 = arith.constant 195 : i32
    %dma_wait3A_212 = arith.constant 0 : i32
    %dma_wait3A_213 = tpu.memref_slice %arg4[%dma_wait3A_211, %multiple_of3A, %dma_wait3A_212] : memref<200x4096x64xf32, #tpu.memory_space<hbm>> -> memref<1x128x64xf32, #tpu.memory_space<hbm>>
    %dma_wait3A_214 = tpu.memref_squeeze %dma_wait3A_213 : memref<1x128x64xf32, #tpu.memory_space<hbm>> -> memref<128x64xf32, #tpu.memory_space<hbm>>
    %dma_wait3A_215 = arith.constant 0 : i32
    %dma_wait3A_216 = tpu.memref_slice %arg4[%dma_wait3A_211, %multiple_of3A, %dma_wait3A_215] : memref<200x4096x64xf32, #tpu.memory_space<hbm>> -> memref<1x128x64xf32, #tpu.memory_space<hbm>>
    %dma_wait3A_217 = tpu.memref_squeeze %dma_wait3A_216 : memref<1x128x64xf32, #tpu.memory_space<hbm>> -> memref<128x64xf32, #tpu.memory_space<hbm>>
    tpu.wait_dma2 semaphore(%arg23 : memref<!tpu.dma_semaphore, #tpu.memory_space<semaphore_mem>>) src(%arg16 : memref<128x64xf32, #tpu.memory_space<vmem>>) dst(%dma_wait3A_217 : memref<128x64xf32, #tpu.memory_space<hbm>>)
    %dma_wait3A_218 = arith.constant 196 : i32
    %dma_wait3A_219 = arith.constant 0 : i32
    %dma_wait3A_220 = tpu.memref_slice %arg4[%dma_wait3A_218, %multiple_of3A, %dma_wait3A_219] : memref<200x4096x64xf32, #tpu.memory_space<hbm>> -> memref<1x128x64xf32, #tpu.memory_space<hbm>>
    %dma_wait3A_221 = tpu.memref_squeeze %dma_wait3A_220 : memref<1x128x64xf32, #tpu.memory_space<hbm>> -> memref<128x64xf32, #tpu.memory_space<hbm>>
    %dma_wait3A_222 = arith.constant 0 : i32
    %dma_wait3A_223 = tpu.memref_slice %arg4[%dma_wait3A_218, %multiple_of3A, %dma_wait3A_222] : memref<200x4096x64xf32, #tpu.memory_space<hbm>> -> memref<1x128x64xf32, #tpu.memory_space<hbm>>
    %dma_wait3A_224 = tpu.memref_squeeze %dma_wait3A_223 : memref<1x128x64xf32, #tpu.memory_space<hbm>> -> memref<128x64xf32, #tpu.memory_space<hbm>>
    tpu.wait_dma2 semaphore(%arg23 : memref<!tpu.dma_semaphore, #tpu.memory_space<semaphore_mem>>) src(%arg17 : memref<128x64xf32, #tpu.memory_space<vmem>>) dst(%dma_wait3A_224 : memref<128x64xf32, #tpu.memory_space<hbm>>)
    %dma_wait3A_225 = arith.constant 197 : i32
    %dma_wait3A_226 = arith.constant 0 : i32
    %dma_wait3A_227 = tpu.memref_slice %arg4[%dma_wait3A_225, %multiple_of3A, %dma_wait3A_226] : memref<200x4096x64xf32, #tpu.memory_space<hbm>> -> memref<1x128x64xf32, #tpu.memory_space<hbm>>
    %dma_wait3A_228 = tpu.memref_squeeze %dma_wait3A_227 : memref<1x128x64xf32, #tpu.memory_space<hbm>> -> memref<128x64xf32, #tpu.memory_space<hbm>>
    %dma_wait3A_229 = arith.constant 0 : i32
    %dma_wait3A_230 = tpu.memref_slice %arg4[%dma_wait3A_225, %multiple_of3A, %dma_wait3A_229] : memref<200x4096x64xf32, #tpu.memory_space<hbm>> -> memref<1x128x64xf32, #tpu.memory_space<hbm>>
    %dma_wait3A_231 = tpu.memref_squeeze %dma_wait3A_230 : memref<1x128x64xf32, #tpu.memory_space<hbm>> -> memref<128x64xf32, #tpu.memory_space<hbm>>
    tpu.wait_dma2 semaphore(%arg23 : memref<!tpu.dma_semaphore, #tpu.memory_space<semaphore_mem>>) src(%arg18 : memref<128x64xf32, #tpu.memory_space<vmem>>) dst(%dma_wait3A_231 : memref<128x64xf32, #tpu.memory_space<hbm>>)
    %dma_wait3A_232 = arith.constant 198 : i32
    %dma_wait3A_233 = arith.constant 0 : i32
    %dma_wait3A_234 = tpu.memref_slice %arg4[%dma_wait3A_232, %multiple_of3A, %dma_wait3A_233] : memref<200x4096x64xf32, #tpu.memory_space<hbm>> -> memref<1x128x64xf32, #tpu.memory_space<hbm>>
    %dma_wait3A_235 = tpu.memref_squeeze %dma_wait3A_234 : memref<1x128x64xf32, #tpu.memory_space<hbm>> -> memref<128x64xf32, #tpu.memory_space<hbm>>
    %dma_wait3A_236 = arith.constant 0 : i32
    %dma_wait3A_237 = tpu.memref_slice %arg4[%dma_wait3A_232, %multiple_of3A, %dma_wait3A_236] : memref<200x4096x64xf32, #tpu.memory_space<hbm>> -> memref<1x128x64xf32, #tpu.memory_space<hbm>>
    %dma_wait3A_238 = tpu.memref_squeeze %dma_wait3A_237 : memref<1x128x64xf32, #tpu.memory_space<hbm>> -> memref<128x64xf32, #tpu.memory_space<hbm>>
    tpu.wait_dma2 semaphore(%arg23 : memref<!tpu.dma_semaphore, #tpu.memory_space<semaphore_mem>>) src(%arg19 : memref<128x64xf32, #tpu.memory_space<vmem>>) dst(%dma_wait3A_238 : memref<128x64xf32, #tpu.memory_space<hbm>>)
    %dma_wait3A_239 = arith.constant 199 : i32
    %dma_wait3A_240 = arith.constant 0 : i32
    %dma_wait3A_241 = tpu.memref_slice %arg4[%dma_wait3A_239, %multiple_of3A, %dma_wait3A_240] : memref<200x4096x64xf32, #tpu.memory_space<hbm>> -> memref<1x128x64xf32, #tpu.memory_space<hbm>>
    %dma_wait3A_242 = tpu.memref_squeeze %dma_wait3A_241 : memref<1x128x64xf32, #tpu.memory_space<hbm>> -> memref<128x64xf32, #tpu.memory_space<hbm>>
    %dma_wait3A_243 = arith.constant 0 : i32
    %dma_wait3A_244 = tpu.memref_slice %arg4[%dma_wait3A_239, %multiple_of3A, %dma_wait3A_243] : memref<200x4096x64xf32, #tpu.memory_space<hbm>> -> memref<1x128x64xf32, #tpu.memory_space<hbm>>
    %dma_wait3A_245 = tpu.memref_squeeze %dma_wait3A_244 : memref<1x128x64xf32, #tpu.memory_space<hbm>> -> memref<128x64xf32, #tpu.memory_space<hbm>>
    tpu.wait_dma2 semaphore(%arg23 : memref<!tpu.dma_semaphore, #tpu.memory_space<semaphore_mem>>) src(%arg20 : memref<128x64xf32, #tpu.memory_space<vmem>>) dst(%dma_wait3A_245 : memref<128x64xf32, #tpu.memory_space<hbm>>)
    return
  }
}

</mosaic_0001>

<sc_bundles>
// kernel: _embed_one.3.cloned.1.call-start
scs
__scs_entry_jumppad:
0x0: {  	(pc) =	sbr.rel $0x88, $3  }
0x1: {  	(tag) =	ssettag $0x0;
	lr =	simm.s32 $0x1  }
0x2: {  	[smem:$0x3F9F] =	sst lr;
	_ =	strace $0xD0000000  }
0x3: {  	_ = 	snop  }
0x4: {  	_ = 	snop  }
0x5: {  	_ = 	snop  }
0x6: {  	_ = 	snop  }
0x7: {  	_ = 	snop  }
__scs_overlays_trampoline_lowered:
0x8: {  	[smem:$0x3FAE] =	sst s0  }
0x9: {  	[smem:$0x3FAF] =	sst s1  }
0xa: {  	[smem:$0x3FB0] =	sst s2  }
0xb: {  	[smem:$0x3FB1] =	sst s3  }
0xc: {  	[smem:$0x3FB2] =	sst s4  }
0xd: {  	[smem:$0x3FB3] =	sst s5  }
0xe: {  	[smem:$0x3FB4] =	sst s6  }
0xf: {  	[smem:$0x3FB5] =	sst s7  }
0x10: {  	[smem:$0x3FB6] =	sst s8  }
0x11: {  	[smem:$0x3FB7] =	sst s9;
	s0 =	simm.s32 @!p0 $0x0  }
0x12: {  	s1 =	sld [smem:$0x3F9D];
	s0 =	simm.s32 @p0 $0x1  }
0x13: {  	[smem:$0x3FB8] =	sst s0;
	s0 =	simm.s32 @!p1 $0x0  }
0x14: {  	s2 =	sld [smem:$0x3F9C];
	s0 =	simm.s32 @p1 $0x1  }
0x15: {  	[smem:$0x3FB9] =	sst s0;
	s0 =	simm.s32 @!p2 $0x0  }
0x16: {  	s3 =	sld [smem:$0x3FDB];
	s0 =	simm.s32 @p2 $0x1  }
0x17: {  	s4 =	simm.s32 $0x1BF5;
	[smem:$0x3FBB] =	sst s0  }
0x18: {  	s0 =	sld [smem:$0x3F9E];
	_ =	swait.ge [sflag:s4], $0x0  }
0x19: {  	s7 =	sld [smem:$0x3F9F]  }
0x1a: {  	s8 =	sadd.s32 $0xFFFFE003, lr  }
0x1b: {  	s9 =	sadd.s32 $0xFFFFFEF7, lr;
	s5 =	simm.s32 $0xFFFFFFFF;
	p2 =	slt.u32 s8, $0xFFFFF086  }
0x1c: {  	p1 =	slt.u32 s9, $0xF7A;
	s5 =	simm.s32 @!p2 $0x0  }
0x1d: {  	s5 =	simm.s32 @p1 $0x1;
	p0 =	seq.s32 s7, s2  }
0x1e: {  	s7 =	smul.u32 @!p0 $0xF7A, s2;
	p2 =	seq.s32 @!p0 s5, $0x0  }
0x1f: {  	s9 =	smul.u32 $0xF7A, s1;
	s8 =	simm.s32 @!p0 $0x1BF5;
	p2 =	por !p2, p0  }
0x20: {  	[sflag:s8] =	ssyncset.s32 @!p0 $0xFFFFF086;
	s6 =	sadd.s32 @!p0 s3, s7;
	s7 =	simm.s32 @!p0 $0x108  }
0x21: {  	s3 =	sadd.s32 s3, s9;
	s6 =	sadd.s32 @!p0 $0x88, s6;
	s7 =	simm.s32 @p2 $0x1082  }
0x22: {  	[simem:s7], [sflag:s8] =	dma.local @!p0 [hbm:s6], $0xF7A  }
0x23: {  	s9 =	sor.u32 $0xD0000000, s2;
	s6 =	simm.s32 $0x108;
	_ =	swait.ge @!p0 [sflag:s8], $0x0  }
0x24: {  	s3 =	sadd.s32 $0x88, s3;
	s6 =	simm.s32 @!p1 $0x1082;
	[sflag:s4] =	ssyncset.s32 $0xFFFFF086  }
0x25: {  	[simem:s6], [sflag:s4] =	dma.local [hbm:s3], $0xF7A  }
0x26: {  	[smem:$0x3F9F] =	sst s1;
	(tag) =	ssettag s2;
	_ =	strace s9  }
0x27: {  	s1 =	sld [smem:$0x3FAF]  }
0x28: {  	s2 =	sld [smem:$0x3FB0]  }
0x29: {  	s4 =	sld [smem:$0x3FB2]  }
0x2a: {  	p0 =	seq.s32 s5, $0x0;
	s5 =	sld [smem:$0x3FB3]  }
0x2b: {  	s6 =	sld [smem:$0x3FB4]  }
0x2c: {  	s7 =	sld [smem:$0x3FB5]  }
0x2d: {  	s3 =	simm.s32 $0x108;
	s8 =	sld [smem:$0x3FB6]  }
0x2e: {  	s3 =	simm.s32 @!p0 $0x1082;
	s9 =	sld [smem:$0x3FB7]  }
0x2f: {  	lr =	sadd.s32 s0, s3;
	s0 =	sld [smem:$0x3FAE]  }
0x30: {  	s3 =	sld [smem:$0x3FB1]  }
0x31: {  	[smem:$0x3FBA] =	sst s10  }
0x32: {  	s10 =	sld [smem:$0x3FB8];
	_ =	sdelay $0x3  }
0x33: {  	p0 =	seq.s32 s10, $0x1;
	s10 =	sld [smem:$0x3FBA];
	_ =	sdelay $0x3  }
0x34: {  	[smem:$0x3FBA] =	sst s10  }
0x35: {  	s10 =	sld [smem:$0x3FB9];
	_ =	sdelay $0x3  }
0x36: {  	p1 =	seq.s32 s10, $0x1;
	s10 =	sld [smem:$0x3FBA];
	_ =	sdelay $0x3  }
0x37: {  	[smem:$0x3FBA] =	sst s10  }
0x38: {  	s10 =	sld [smem:$0x3FBB]  }
0x39: {  	_ = 	snop;
	(pc) =	sbr.ind lr, $3  }
0x3a: {  	_ = 	snop  }
0x3b: {  	_ = 	snop  }
0x3c: {  	p2 =	seq.s32 s10, $0x1;
	s10 =	sld [smem:$0x3FBA]  }
0x3d: {  	_ =	shalt  }
0x3e: {  	_ =	shalt  }
0x3f: {  	_ =	shalt  }
0x40: {  	_ =	shalt  }
0x41: {  	_ =	shalt  }
0x42: {  	_ =	shalt  }
0x43: {  	_ =	shalt  }
0x44: {  	_ =	shalt  }
0x45: {  	_ =	shalt  }
0x46: {  	_ =	shalt  }
0x47: {  	_ =	shalt  }
0x48: {  	_ =	shalt  }
0x49: {  	_ =	shalt  }
0x4a: {  	_ =	shalt  }
0x4b: {  	_ =	shalt  }
0x4c: {  	_ =	shalt  }
0x4d: {  	_ =	shalt  }
0x4e: {  	_ =	shalt  }
0x4f: {  	_ =	shalt  }
0x50: {  	_ =	shalt  }
0x51: {  	_ =	shalt  }
0x52: {  	_ =	shalt  }
0x53: {  	_ =	shalt  }
0x54: {  	_ =	shalt  }
0x55: {  	_ =	shalt  }
0x56: {  	_ =	shalt  }
0x57: {  	_ =	shalt  }
0x58: {  	_ =	shalt  }
0x59: {  	_ =	shalt  }
0x5a: {  	_ =	shalt  }
0x5b: {  	_ =	shalt  }
0x5c: {  	_ =	shalt  }
0x5d: {  	_ =	shalt  }
0x5e: {  	_ =	shalt  }
0x5f: {  	_ =	shalt  }
0x60: {  	_ =	shalt  }
0x61: {  	_ =	shalt  }
0x62: {  	_ =	shalt  }
0x63: {  	_ =	shalt  }
0x64: {  	_ =	shalt  }
0x65: {  	_ =	shalt  }
0x66: {  	_ =	shalt  }
0x67: {  	_ =	shalt  }
0x68: {  	_ =	shalt  }
0x69: {  	_ =	shalt  }
0x6a: {  	_ =	shalt  }
0x6b: {  	_ =	shalt  }
0x6c: {  	_ =	shalt  }
0x6d: {  	_ =	shalt  }
0x6e: {  	_ =	shalt  }
0x6f: {  	_ =	shalt  }
0x70: {  	_ =	shalt  }
0x71: {  	_ =	shalt  }
0x72: {  	_ =	shalt  }
0x73: {  	_ =	shalt  }
0x74: {  	_ =	shalt  }
0x75: {  	_ =	shalt  }
0x76: {  	_ =	shalt  }
0x77: {  	_ =	shalt  }
0x78: {  	_ =	shalt  }
0x79: {  	_ =	shalt  }
0x7a: {  	_ =	shalt  }
0x7b: {  	_ =	shalt  }
0x7c: {  	_ =	shalt  }
0x7d: {  	_ =	shalt  }
0x7e: {  	_ =	shalt  }
0x7f: {  	_ =	shalt  }
0x80: {  	_ =	shalt  }
0x81: {  	_ =	shalt  }
0x82: {  	_ =	shalt  }
0x83: {  	_ =	shalt  }
0x84: {  	_ =	shalt  }
0x85: {  	_ =	shalt  }
0x86: {  	_ =	shalt  }
0x87: {  	_ =	shalt  }
.Lfunc_end0:
.L_simem_size_0:
called_computation.1_lowered:
.L_overlay_start_0:
0x88: {  	s2 =	sld [smem:$0x3FD9]  }
0x89: {  	s3 =	sld [smem:$0x3FFE];
	_ =	sdelay $0x1  }
0x8a: {  	s1 =	srdreg.scid  }
0x8b: {  	s0 =	sand.u32 $0x1, s1  }
0x8c: {  	s17 =	sshll.u32 s0, $0xA;
	s2 =	sadd.s32 s3, s2  }
0x8d: {  	s2 =	sadd.s32 s2, s17  }
0x8e: {  	[smem:$0x3FC6] =	sst s2  }
0x8f: {  	_ = 	snop  }
0x90: {  	s2 =	sld [smem:$0x3FD0];
	(tm) =	ssettm $0x1  }
0x91: {  	s18 =	sld [smem:$0x3FFB];
	_ =	sdelay $0x3  }
0x92: {  	_ =	strace s18  }
0x93: {  	s3 =	sld [smem:$0x3FFC];
	_ =	sdelay $0x3  }
0x94: {  	_ =	strace s3  }
0x95: {  	s3 =	sld [smem:$0x3FFD];
	_ =	sdelay $0x3  }
0x96: {  	_ =	strace s3  }
0x97: {  	_ =	strace $0x8FFFFFFF  }
0x98: {  	s19 =	sld [smem:$0x3FDB];
	_ =	sdelay $0x1  }
0x99: {  	s4 =	simm.s32 $_scs_section_size  }
0x9a: {  	s5 =	simm.s32 $_size__tile_overlayer_lowered;
	s6 =	simm.s32 $_tile_overlayer_lowered  }
0x9b: {  	s22 =	simm.s32 $0x1BFF;
	s21 =	sshll.u32 s6, $0x1;
	s3 =	sadd.s32 s4, s19  }
0x9c: {  	s7 =	simm.s32 $0x0;
	s20 =	sshll.u32 s5, $0x1;
	s5 =	sadd.s32 s21, s3  }
0x9d: {  	[timem:s7], [sflag:s22] =	dma.local [hbm:s5], s20  }
0x9e: {  	_ =	swait.ge [sflag:s22], s20  }
0x9f: {  	s4 =	ssub.s32 $0x0, s20;
	[sflag:s22] =	ssyncset.done $0x0  }
0xa0: {  	[sflag:s22] =	ssyncadd.s32 s4;
	_ =	sdelay $0x1  }
0xa1: {  	s23 =	simm.s32 $0x1B8B  }
0xa2: {  	_ =	swait.ge [sflag:s23], $0x1  }
0xa3: {  	[sflag:s23] =	ssyncset.done $0x0  }
0xa4: {  	s25 =	simm.s32 $0x1B8E;
	s24 =	sld [smem:$0x3FFE];
	[sflag:s23] =	ssyncadd.s32 $0xFFFFFFFF  }
0xa5: {  	s26 =	simm.s32 $execute0_lowered;
	[smem:$0x3FD2] =	sst s25  }
0xa6: {  	s5 =	sshll.u32 s26, $0x1;
	_ =	strace $0x80000046;
	[dreg:$0x1] =	wrdreg $0xFFFFFFFF  }
0xa7: {  	s28 =	simm.s32 $_size_execute0_lowered;
	s3 =	sadd.s32 s3, s5;
	[dreg:$0x0] =	wrdreg $0x0  }
0xa8: {  	s5 =	sshll.u32 s28, $0x1;
	[dreg:$0x2] =	wrdreg s3  }
0xa9: {  	[dreg:$0x3] =	wrdreg s5  }
0xaa: {  	[dreg:$0x4] =	wrdreg $0xC0  }
0xab: {  	_ =	task [dreg:s7], $0x5FFFF  }
0xac: {  	[dreg:$0x1] =	wrdreg $0xFFFFFFFF  }
0xad: {  	[dreg:$0x0] =	wrdreg $0x60  }
0xae: {  	[dreg:$0x2] =	wrdreg s24  }
0xaf: {  	[dreg:$0x3] =	wrdreg s2  }
0xb0: {  	[dreg:$0x4] =	wrdreg $0x9  }
0xb1: {  	_ =	task.clear_ibuf [dreg:s7], $0x5FFFF;
	_ =	strace $0x90000046  }
0xb2: {  	s29 =	simm.s32 $0x9;
	_ =	strace $0x80000048  }
0xb3: {  	_ =	swait.ge [sflag:s29], $0x1  }
0xb4: {  	[sflag:s29] =	ssyncadd.s32 $0xFFFFFFFF  }
0xb5: {  	_ =	strace $0x90000048  }
0xb6: {  	_ =	sfence  }
0xb7: {  	s30 =	sld [smem:$0x0];
	_ =	sdelay $0x2  }
0xb8: {  	s31 =	sshll.u32 s1, $0xD;
	s1 =	sshrl.u32 s1, $0x2  }
0xb9: {  	s3 =	sand.u32 $0x4000, s31;
	s1 =	sadd.s32 s1, s30  }
0xba: {  	s0 =	sor.u32 s3, s0;
	s1 =	sshll.u32 s1, $0x11  }
0xbb: {  	s0 =	sor.u32 s1, s0  }
0xbc: {  	s0 =	sadd.s32 $0x8F2B, s0  }
0xbd: {  	[sflag:s0] =	ssyncadd.remote.s32 $0x1  }
0xbe: {  	_ =	sfence.sel $0xFFFF  }
0xbf: {  	[dreg:$0x0] =	wrdreg $0xFFFFFFFF;
	(pc) =	sbr.abs _section_cstart, $3  }
0xc0: {  	[dreg:$0x1] =	wrdreg $0xFFFFFFFF  }
0xc1: {  	_ =	task.clear_ibuf [dreg:s7], $0x2FFFF;
	_ =	strace $0x9FFFFFFF  }
0xc2: {  	(tm) =	ssettm $0x7FFFFFFF  }
0xc3: {  	_ =	shalt  }
tec
execute0_lowered:
.L_overlay_start_1:
0x0: {  	(tag) =	ssettag $0x1  }
0x1: {  	s2 =	srdreg.scid  }
0x2: {  	s10 =	stileid.u32;
	s6 =	sand.u32 $0x1, s2  }
0x3: {  	s0 =	rddreg [dreg:$0x0];
	s3 =	sshll.u32 s10, $0x8;
	s4 =	sshll.u32 s6, $0x7  }
0x4: {  	s1 =	rddreg [dreg:$0x1];
	s28 =	simm.s32 $0x280;
	s7 =	sor.u32 s4, s3  }
0x5: {  	s29 =	simm.s32 $0x300;
	s3 =	sadd.s32 $0x800, s0;
	s4 =	sshrl.u32 s7, $0x3  }
0x6: {  	s30 =	simm.s32 $0x380;
	s2 =	simm.s32 $0x0;
	s4 =	sadd.s32 s3, s4  }
0x7: {  	s5 =	sadd.s32 $0x19800, s0;
	[smem:$0x7FF] =	sst s2;
	s12 =	sadd.s32 $0x200, s4  }
0x8: {  	_ =	strace $0x80000047;
	s13 =	sadd.s32 $0x400, s4;
	[dreg:$0xb] =	wrdreg s12  }
0x9: {  	s8 =	ssub.s32 $0x2, s6;
	s14 =	sadd.s32 $0x600, s4;
	[dreg:$0xc] =	wrdreg s13  }
0xa: {  	s9 =	sshrl.u32 s8, $0x1;
	s16 =	sadd.s32 $0x800, s4;
	[dreg:$0xd] =	wrdreg s14  }
0xb: {  	s0 =	ssub.s32 s8, s9;
	s17 =	sadd.s32 $0xA00, s4;
	[dreg:$0xe] =	wrdreg s16  }
0xc: {  	s15 =	sshll.u32 s7, $0x3;
	s18 =	sadd.s32 $0xC00, s4;
	[dreg:$0xf] =	wrdreg s17  }
0xd: {  	s8 =	sadd.s32 s15, s1;
	s19 =	sadd.s32 $0xE00, s4;
	[dreg:$0x10] =	wrdreg s18  }
0xe: {  	s31 =	simm.s32 $0x1;
	s20 =	sadd.s32 $0x600000, s8;
	[dreg:$0x11] =	wrdreg s19  }
0xf: {  	s26 =	sshll.u32 s10, $0xB;
	s21 =	sadd.s32 $0x608000, s8;
	[dreg:$0x12] =	wrdreg s20  }
0x10: {  	s10 =	simm.s32 $0xC400;
	s22 =	sadd.s32 $0x610000, s8;
	[dreg:$0x13] =	wrdreg s21  }
0x11: {  	s6 =	sshll.u32 s6, $0xA;
	s23 =	sadd.s32 $0x618000, s8;
	[dreg:$0x14] =	wrdreg s22  }
0x12: {  	s9 =	simm.s32 $0xA400;
	s24 =	sadd.s32 $0x620000, s8;
	[dreg:$0x15] =	wrdreg s23  }
0x13: {  	s1 =	sadd.s32 s26, s1;
	s25 =	sadd.s32 $0x628000, s8;
	[dreg:$0x16] =	wrdreg s24  }
0x14: {  	s11 =	sadd.s32 $0x630000, s8;
	s1 =	sadd.s32 s6, s1;
	[dreg:$0x17] =	wrdreg s25  }
0x15: {  	s6 =	simm.s32 $0x4400;
	[dreg:$0x18] =	wrdreg s11;
	s20 =	sadd.s32 $0x638000, s8  }
0x16: {  	s12 =	sor.u32 $0xF000, s7;
	[dreg:$0x3] =	wrdreg s1;
	s14 =	sor.u32 $0xE000, s7  }
0x17: {  	s16 =	sor.u32 $0xD000, s7;
	s18 =	sor.u32 $0xC000, s7;
	s21 =	sor.u32 $0xB000, s7  }
0x18: {  	s23 =	sor.u32 $0xA000, s7;
	s25 =	sor.u32 $0x9000, s7;
	s1 =	simm.s32 $0x2400  }
0x19: {  	s8 =	simm.s32 $0x8400;
	s11 =	simm.s32 $0xE400;
	s13 =	sshrl.u32 s12, $0x3  }
0x1a: {  	s15 =	sshrl.u32 s14, $0x3;
	s17 =	sshrl.u32 s16, $0x3;
	[dreg:$0x4] =	wrdreg s13  }
0x1b: {  	s19 =	sshrl.u32 s18, $0x3;
	s22 =	sshrl.u32 s21, $0x3;
	[dreg:$0x5] =	wrdreg s15  }
0x1c: {  	s24 =	sshrl.u32 s23, $0x3;
	s21 =	smax.u32 s0, $0x1;
	[dreg:$0x6] =	wrdreg s17  }
0x1d: {  	s26 =	sshrl.u32 s25, $0x3;
	s23 =	simm.s32 $0x80;
	[dreg:$0x7] =	wrdreg s19  }
0x1e: {  	s25 =	simm.s32 $0x180;
	s0 =	simm.s32 $0x400;
	[dreg:$0x8] =	wrdreg s22  }
0x1f: {  	s12 =	simm.s32 $0x2;
	s14 =	simm.s32 $0x0;
	[dreg:$0x9] =	wrdreg s24  }
0x20: {  	[dreg:$0xa] =	wrdreg s26;
	s22 =	sor.u32 $0x8000, s7;
	s24 =	simm.s32 $0x100  }
0x21: {  	s26 =	simm.s32 $0x200;
	s7 =	simm.s32 $0x6400;
	s13 =	simm.s32 $0x3  }
.LBB2_1:
0x22: {  	[tilespmem:s2], [sflag:$0x1] =	stream.linear.gather [hbm4b:s4+s2], $0x80, $0x38;
	[tilespmem:$0x10400] =	vst v63  }
0x23: {  	s15 =	rddreg [dreg:$0xb]  }
0x24: {  	[tilespmem:s23], [sflag:$0x1] =	stream.linear.gather [hbm4b:s15+s2], $0x80, $0x38;
	[tilespmem:$0x10400] =	vst v63  }
0x25: {  	s19 =	rddreg [dreg:$0xc]  }
0x26: {  	[tilespmem:s24], [sflag:$0x1] =	stream.linear.gather [hbm4b:s19+s2], $0x80, $0x38;
	[tilespmem:$0x10400] =	vst v63  }
0x27: {  	s16 =	rddreg [dreg:$0xd]  }
0x28: {  	[tilespmem:s25], [sflag:$0x1] =	stream.linear.gather [hbm4b:s16+s2], $0x80, $0x38;
	[tilespmem:$0x10400] =	vst v63  }
0x29: {  	s17 =	rddreg [dreg:$0xe]  }
0x2a: {  	[tilespmem:s26], [sflag:$0x1] =	stream.linear.gather [hbm4b:s17+s2], $0x80, $0x38;
	[tilespmem:$0x10400] =	vst v63  }
0x2b: {  	s18 =	rddreg [dreg:$0xf]  }
0x2c: {  	[tilespmem:s28], [sflag:$0x1] =	stream.linear.gather [hbm4b:s18+s2], $0x80, $0x38;
	[tilespmem:$0x10400] =	vst v63  }
0x2d: {  	s19 =	rddreg [dreg:$0x10]  }
0x2e: {  	[tilespmem:s29], [sflag:$0x1] =	stream.linear.gather [hbm4b:s19+s2], $0x80, $0x38;
	[tilespmem:$0x10400] =	vst v63  }
0x2f: {  	s16 =	rddreg [dreg:$0x11]  }
0x30: {  	[tilespmem:s30], [sflag:$0x1] =	stream.linear.gather [hbm4b:s16+s2], $0x80, $0x38;
	[tilespmem:$0x10400] =	vst v63  }
0x31: {  	_ =	swait.ge [sflag:s31], $0x80  }
0x32: {  	[sflag:s31] =	ssyncset.done $0x0  }
0x33: {  	[sflag:s31] =	ssyncadd.s32 $0xFFFFFF80  }
0x34: {  	[tilespmem:s0], [sflag:$0x2] =	stream.indirect.gather [hbm4b:s5+s23], $0x40, s2, s23, $0xb8;
	[tilespmem:$0x10400] =	vst v63  }
0x35: {  	_ =	swait.ge [sflag:s31], $0x80  }
0x36: {  	[sflag:s31] =	ssyncset.done $0x0  }
0x37: {  	[sflag:s31] =	ssyncadd.s32 $0xFFFFFF80  }
0x38: {  	[tilespmem:s1], [sflag:$0x2] =	stream.indirect.gather [hbm4b:s5+s23], $0x40, s23, s23, $0xb8;
	[tilespmem:$0x10400] =	vst v63  }
0x39: {  	_ =	swait.ge [sflag:s31], $0x80  }
0x3a: {  	[sflag:s31] =	ssyncset.done $0x0  }
0x3b: {  	[sflag:s31] =	ssyncadd.s32 $0xFFFFFF80  }
0x3c: {  	[tilespmem:s6], [sflag:$0x2] =	stream.indirect.gather [hbm4b:s5+s23], $0x40, s24, s23, $0xb8;
	[tilespmem:$0x10400] =	vst v63  }
0x3d: {  	_ =	swait.ge [sflag:s31], $0x80  }
0x3e: {  	[sflag:s31] =	ssyncset.done $0x0  }
0x3f: {  	[sflag:s31] =	ssyncadd.s32 $0xFFFFFF80  }
0x40: {  	[tilespmem:s7], [sflag:$0x2] =	stream.indirect.gather [hbm4b:s5+s23], $0x40, s25, s23, $0xb8;
	[tilespmem:$0x10400] =	vst v63  }
0x41: {  	_ =	swait.ge [sflag:s31], $0x80  }
0x42: {  	[sflag:s31] =	ssyncset.done $0x0  }
0x43: {  	[sflag:s31] =	ssyncadd.s32 $0xFFFFFF80  }
0x44: {  	[tilespmem:s8], [sflag:$0x2] =	stream.indirect.gather [hbm4b:s5+s23], $0x40, s26, s23, $0xb8;
	[tilespmem:$0x10400] =	vst v63  }
0x45: {  	_ =	swait.ge [sflag:s31], $0x80  }
0x46: {  	[sflag:s31] =	ssyncset.done $0x0  }
0x47: {  	[sflag:s31] =	ssyncadd.s32 $0xFFFFFF80  }
0x48: {  	[tilespmem:s9], [sflag:$0x2] =	stream.indirect.gather [hbm4b:s5+s23], $0x40, s28, s23, $0xb8;
	[tilespmem:$0x10400] =	vst v63  }
0x49: {  	_ =	swait.ge [sflag:s31], $0x80  }
0x4a: {  	[sflag:s31] =	ssyncset.done $0x0  }
0x4b: {  	[sflag:s31] =	ssyncadd.s32 $0xFFFFFF80  }
0x4c: {  	[tilespmem:s10], [sflag:$0x2] =	stream.indirect.gather [hbm4b:s5+s23], $0x40, s29, s23, $0xb8;
	[tilespmem:$0x10400] =	vst v63  }
0x4d: {  	_ =	swait.ge [sflag:s31], $0x80  }
0x4e: {  	[sflag:s31] =	ssyncset.done $0x0  }
0x4f: {  	[sflag:s31] =	ssyncadd.s32 $0xFFFFFF80  }
0x50: {  	[tilespmem:s11], [sflag:$0x2] =	stream.indirect.gather [hbm4b:s5+s23], $0x40, s30, s23, $0xb8;
	[tilespmem:$0x10400] =	vst v63  }
0x51: {  	_ =	swait.ge [sflag:s12], $0x2000  }
0x52: {  	s17 =	rddreg [dreg:$0x3];
	[sflag:s12] =	ssyncset.done $0x0  }
0x53: {  	[sflag:s12] =	ssyncadd.s32 $0xFFFFE000;
	s15 =	sadd.s32 $0x0, s17  }
0x54: {  	[hbm4b:s15+s2] =	stream.linear.scatter [tilespmem:s0], [sflag:$0x3], $0x2000, $0x38;
	[tilespmem:$0x10400] =	vst v63  }
0x55: {  	_ =	swait.ge [sflag:s12], $0x2000  }
0x56: {  	[sflag:s12] =	ssyncset.done $0x0  }
0x57: {  	s16 =	sadd.s32 $0x8000, s15;
	[sflag:s12] =	ssyncadd.s32 $0xFFFFE000  }
0x58: {  	[hbm4b:s16+s2] =	stream.linear.scatter [tilespmem:s1], [sflag:$0x3], $0x2000, $0x38;
	[tilespmem:$0x10400] =	vst v63  }
0x59: {  	_ =	swait.ge [sflag:s12], $0x2000  }
0x5a: {  	[sflag:s12] =	ssyncset.done $0x0  }
0x5b: {  	s18 =	sadd.s32 $0x10000, s15;
	[sflag:s12] =	ssyncadd.s32 $0xFFFFE000  }
0x5c: {  	[hbm4b:s18+s2] =	stream.linear.scatter [tilespmem:s6], [sflag:$0x3], $0x2000, $0x38;
	[tilespmem:$0x10400] =	vst v63  }
0x5d: {  	_ =	swait.ge [sflag:s12], $0x2000  }
0x5e: {  	[sflag:s12] =	ssyncset.done $0x0  }
0x5f: {  	s19 =	sadd.s32 $0x18000, s15;
	[sflag:s12] =	ssyncadd.s32 $0xFFFFE000  }
0x60: {  	[hbm4b:s19+s2] =	stream.linear.scatter [tilespmem:s7], [sflag:$0x3], $0x2000, $0x38;
	[tilespmem:$0x10400] =	vst v63  }
0x61: {  	_ =	swait.ge [sflag:s12], $0x2000  }
0x62: {  	[sflag:s12] =	ssyncset.done $0x0  }
0x63: {  	s17 =	sadd.s32 $0x20000, s15;
	[sflag:s12] =	ssyncadd.s32 $0xFFFFE000  }
0x64: {  	[hbm4b:s17+s2] =	stream.linear.scatter [tilespmem:s8], [sflag:$0x3], $0x2000, $0x38;
	[tilespmem:$0x10400] =	vst v63  }
0x65: {  	_ =	swait.ge [sflag:s12], $0x2000  }
0x66: {  	[sflag:s12] =	ssyncset.done $0x0  }
0x67: {  	s18 =	sadd.s32 $0x28000, s15;
	[sflag:s12] =	ssyncadd.s32 $0xFFFFE000  }
0x68: {  	[hbm4b:s18+s2] =	stream.linear.scatter [tilespmem:s9], [sflag:$0x3], $0x2000, $0x38;
	[tilespmem:$0x10400] =	vst v63  }
0x69: {  	_ =	swait.ge [sflag:s12], $0x2000  }
0x6a: {  	[sflag:s12] =	ssyncset.done $0x0  }
0x6b: {  	s19 =	sadd.s32 $0x30000, s15;
	[sflag:s12] =	ssyncadd.s32 $0xFFFFE000  }
0x6c: {  	[hbm4b:s19+s2] =	stream.linear.scatter [tilespmem:s10], [sflag:$0x3], $0x2000, $0x38;
	[tilespmem:$0x10400] =	vst v63  }
0x6d: {  	_ =	swait.ge [sflag:s12], $0x2000  }
0x6e: {  	[sflag:s12] =	ssyncset.done $0x0  }
0x6f: {  	s15 =	sadd.s32 $0x38000, s15;
	[sflag:s12] =	ssyncadd.s32 $0xFFFFE000  }
0x70: {  	[hbm4b:s15+s2] =	stream.linear.scatter [tilespmem:s11], [sflag:$0x3], $0x2000, $0x38;
	[tilespmem:$0x10400] =	vst v63  }
0x71: {  	_ =	swait.ge [sflag:s13], $0x2000  }
0x72: {  	s16 =	sshrl.u32 s22, $0x3;
	[sflag:s13] =	ssyncset.done $0x0  }
0x73: {  	s15 =	sadd.s32 s3, s16;
	[sflag:s13] =	ssyncadd.s32 $0xFFFFE000  }
0x74: {  	[tilespmem:s2], [sflag:$0x1] =	stream.linear.gather [hbm4b:s15+s2], $0x80, $0x38;
	[tilespmem:$0x10400] =	vst v63  }
0x75: {  	_ =	swait.ge [sflag:s13], $0x2000  }
0x76: {  	s17 =	rddreg [dreg:$0xa];
	[sflag:s13] =	ssyncset.done $0x0  }
0x77: {  	[sflag:s13] =	ssyncadd.s32 $0xFFFFE000;
	s15 =	sadd.s32 s3, s17  }
0x78: {  	[tilespmem:s23], [sflag:$0x1] =	stream.linear.gather [hbm4b:s15+s2], $0x80, $0x38;
	[tilespmem:$0x10400] =	vst v63  }
0x79: {  	_ =	swait.ge [sflag:s13], $0x2000  }
0x7a: {  	s18 =	rddreg [dreg:$0x9];
	[sflag:s13] =	ssyncset.done $0x0  }
0x7b: {  	[sflag:s13] =	ssyncadd.s32 $0xFFFFE000;
	s15 =	sadd.s32 s3, s18  }
0x7c: {  	[tilespmem:s24], [sflag:$0x1] =	stream.linear.gather [hbm4b:s15+s2], $0x80, $0x38;
	[tilespmem:$0x10400] =	vst v63  }
0x7d: {  	_ =	swait.ge [sflag:s13], $0x2000  }
0x7e: {  	s19 =	rddreg [dreg:$0x8];
	[sflag:s13] =	ssyncset.done $0x0  }
0x7f: {  	[sflag:s13] =	ssyncadd.s32 $0xFFFFE000;
	s15 =	sadd.s32 s3, s19  }
0x80: {  	[tilespmem:s25], [sflag:$0x1] =	stream.linear.gather [hbm4b:s15+s2], $0x80, $0x38;
	[tilespmem:$0x10400] =	vst v63  }
0x81: {  	_ =	swait.ge [sflag:s13], $0x2000  }
0x82: {  	s16 =	rddreg [dreg:$0x7];
	[sflag:s13] =	ssyncset.done $0x0  }
0x83: {  	[sflag:s13] =	ssyncadd.s32 $0xFFFFE000;
	s15 =	sadd.s32 s3, s16  }
0x84: {  	[tilespmem:s26], [sflag:$0x1] =	stream.linear.gather [hbm4b:s15+s2], $0x80, $0x38;
	[tilespmem:$0x10400] =	vst v63  }
0x85: {  	_ =	swait.ge [sflag:s13], $0x2000  }
0x86: {  	s17 =	rddreg [dreg:$0x6];
	[sflag:s13] =	ssyncset.done $0x0  }
0x87: {  	[sflag:s13] =	ssyncadd.s32 $0xFFFFE000;
	s15 =	sadd.s32 s3, s17  }
0x88: {  	[tilespmem:s28], [sflag:$0x1] =	stream.linear.gather [hbm4b:s15+s2], $0x80, $0x38;
	[tilespmem:$0x10400] =	vst v63  }
0x89: {  	_ =	swait.ge [sflag:s13], $0x2000  }
0x8a: {  	s18 =	rddreg [dreg:$0x5];
	[sflag:s13] =	ssyncset.done $0x0  }
0x8b: {  	[sflag:s13] =	ssyncadd.s32 $0xFFFFE000;
	s15 =	sadd.s32 s3, s18  }
0x8c: {  	[tilespmem:s29], [sflag:$0x1] =	stream.linear.gather [hbm4b:s15+s2], $0x80, $0x38;
	[tilespmem:$0x10400] =	vst v63  }
0x8d: {  	_ =	swait.ge [sflag:s13], $0x2000  }
0x8e: {  	s19 =	rddreg [dreg:$0x4];
	[sflag:s13] =	ssyncset.done $0x0  }
0x8f: {  	[sflag:s13] =	ssyncadd.s32 $0xFFFFE000;
	s15 =	sadd.s32 s3, s19  }
0x90: {  	[tilespmem:s30], [sflag:$0x1] =	stream.linear.gather [hbm4b:s15+s2], $0x80, $0x38;
	[tilespmem:$0x10400] =	vst v63  }
0x91: {  	_ =	swait.ge [sflag:s31], $0x80  }
0x92: {  	[sflag:s31] =	ssyncset.done $0x0  }
0x93: {  	[sflag:s31] =	ssyncadd.s32 $0xFFFFFF80  }
0x94: {  	[tilespmem:s0], [sflag:$0x2] =	stream.indirect.gather [hbm4b:s5+s23], $0x40, s2, s23, $0xb8;
	[tilespmem:$0x10400] =	vst v63  }
0x95: {  	_ =	swait.ge [sflag:s31], $0x80  }
0x96: {  	[sflag:s31] =	ssyncset.done $0x0  }
0x97: {  	[sflag:s31] =	ssyncadd.s32 $0xFFFFFF80  }
0x98: {  	[tilespmem:s1], [sflag:$0x2] =	stream.indirect.gather [hbm4b:s5+s23], $0x40, s23, s23, $0xb8;
	[tilespmem:$0x10400] =	vst v63  }
0x99: {  	_ =	swait.ge [sflag:s31], $0x80  }
0x9a: {  	[sflag:s31] =	ssyncset.done $0x0  }
0x9b: {  	[sflag:s31] =	ssyncadd.s32 $0xFFFFFF80  }
0x9c: {  	[tilespmem:s6], [sflag:$0x2] =	stream.indirect.gather [hbm4b:s5+s23], $0x40, s24, s23, $0xb8;
	[tilespmem:$0x10400] =	vst v63  }
0x9d: {  	_ =	swait.ge [sflag:s31], $0x80  }
0x9e: {  	[sflag:s31] =	ssyncset.done $0x0  }
0x9f: {  	[sflag:s31] =	ssyncadd.s32 $0xFFFFFF80  }
0xa0: {  	[tilespmem:s7], [sflag:$0x2] =	stream.indirect.gather [hbm4b:s5+s23], $0x40, s25, s23, $0xb8;
	[tilespmem:$0x10400] =	vst v63  }
0xa1: {  	_ =	swait.ge [sflag:s31], $0x80  }
0xa2: {  	[sflag:s31] =	ssyncset.done $0x0  }
0xa3: {  	[sflag:s31] =	ssyncadd.s32 $0xFFFFFF80  }
0xa4: {  	[tilespmem:s8], [sflag:$0x2] =	stream.indirect.gather [hbm4b:s5+s23], $0x40, s26, s23, $0xb8;
	[tilespmem:$0x10400] =	vst v63  }
0xa5: {  	_ =	swait.ge [sflag:s31], $0x80  }
0xa6: {  	[sflag:s31] =	ssyncset.done $0x0  }
0xa7: {  	[sflag:s31] =	ssyncadd.s32 $0xFFFFFF80  }
0xa8: {  	[tilespmem:s9], [sflag:$0x2] =	stream.indirect.gather [hbm4b:s5+s23], $0x40, s28, s23, $0xb8;
	[tilespmem:$0x10400] =	vst v63  }
0xa9: {  	_ =	swait.ge [sflag:s31], $0x80  }
0xaa: {  	[sflag:s31] =	ssyncset.done $0x0  }
0xab: {  	[sflag:s31] =	ssyncadd.s32 $0xFFFFFF80  }
0xac: {  	[tilespmem:s10], [sflag:$0x2] =	stream.indirect.gather [hbm4b:s5+s23], $0x40, s29, s23, $0xb8;
	[tilespmem:$0x10400] =	vst v63  }
0xad: {  	_ =	swait.ge [sflag:s31], $0x80  }
0xae: {  	s16 =	sadd.s32 $0x1000, s3;
	[sflag:s31] =	ssyncset.done $0x0  }
0xaf: {  	s17 =	sadd.s32 $0x8000, s22;
	s15 =	simm.s32 $0x40000;
	[sflag:s31] =	ssyncadd.s32 $0xFFFFFF80  }
.LBB2_2:
0xb0: {  	[tilespmem:s11], [sflag:$0x2] =	stream.indirect.gather [hbm4b:s5+s23], $0x40, s30, s23, $0xb8;
	[tilespmem:$0x10400] =	vst v63  }
0xb1: {  	_ =	swait.ge [sflag:s12], $0x2000  }
0xb2: {  	s18 =	smov.u32 s15;
	s19 =	rddreg [dreg:$0x3];
	[sflag:s12] =	ssyncset.done $0x0  }
0xb3: {  	[sflag:s12] =	ssyncadd.s32 $0xFFFFE000;
	s18 =	sadd.s32 s18, s19  }
0xb4: {  	[hbm4b:s18+s2] =	stream.linear.scatter [tilespmem:s0], [sflag:$0x3], $0x2000, $0x38;
	[tilespmem:$0x10400] =	vst v63  }
0xb5: {  	_ =	swait.ge [sflag:s12], $0x2000  }
0xb6: {  	[sflag:s12] =	ssyncset.done $0x0  }
0xb7: {  	s19 =	sadd.s32 $0x8000, s18;
	[sflag:s12] =	ssyncadd.s32 $0xFFFFE000  }
0xb8: {  	[hbm4b:s19+s2] =	stream.linear.scatter [tilespmem:s1], [sflag:$0x3], $0x2000, $0x38;
	[tilespmem:$0x10400] =	vst v63  }
0xb9: {  	_ =	swait.ge [sflag:s12], $0x2000  }
0xba: {  	[sflag:s12] =	ssyncset.done $0x0  }
0xbb: {  	s19 =	sadd.s32 $0x10000, s18;
	[sflag:s12] =	ssyncadd.s32 $0xFFFFE000  }
0xbc: {  	[hbm4b:s19+s2] =	stream.linear.scatter [tilespmem:s6], [sflag:$0x3], $0x2000, $0x38;
	[tilespmem:$0x10400] =	vst v63  }
0xbd: {  	_ =	swait.ge [sflag:s12], $0x2000  }
0xbe: {  	[sflag:s12] =	ssyncset.done $0x0  }
0xbf: {  	s19 =	sadd.s32 $0x18000, s18;
	[sflag:s12] =	ssyncadd.s32 $0xFFFFE000  }
0xc0: {  	[hbm4b:s19+s2] =	stream.linear.scatter [tilespmem:s7], [sflag:$0x3], $0x2000, $0x38;
	[tilespmem:$0x10400] =	vst v63  }
0xc1: {  	_ =	swait.ge [sflag:s12], $0x2000  }
0xc2: {  	[sflag:s12] =	ssyncset.done $0x0  }
0xc3: {  	s19 =	sadd.s32 $0x20000, s18;
	[sflag:s12] =	ssyncadd.s32 $0xFFFFE000  }
0xc4: {  	[hbm4b:s19+s2] =	stream.linear.scatter [tilespmem:s8], [sflag:$0x3], $0x2000, $0x38;
	[tilespmem:$0x10400] =	vst v63  }
0xc5: {  	_ =	swait.ge [sflag:s12], $0x2000  }
0xc6: {  	[sflag:s12] =	ssyncset.done $0x0  }
0xc7: {  	s19 =	sadd.s32 $0x28000, s18;
	[sflag:s12] =	ssyncadd.s32 $0xFFFFE000  }
0xc8: {  	[hbm4b:s19+s2] =	stream.linear.scatter [tilespmem:s9], [sflag:$0x3], $0x2000, $0x38;
	[tilespmem:$0x10400] =	vst v63  }
0xc9: {  	_ =	swait.ge [sflag:s12], $0x2000  }
0xca: {  	[sflag:s12] =	ssyncset.done $0x0  }
0xcb: {  	s19 =	sadd.s32 $0x30000, s18;
	[sflag:s12] =	ssyncadd.s32 $0xFFFFE000  }
0xcc: {  	[hbm4b:s19+s2] =	stream.linear.scatter [tilespmem:s10], [sflag:$0x3], $0x2000, $0x38;
	[tilespmem:$0x10400] =	vst v63  }
0xcd: {  	_ =	swait.ge [sflag:s12], $0x2000  }
0xce: {  	[sflag:s12] =	ssyncset.done $0x0  }
0xcf: {  	s18 =	sadd.s32 $0x38000, s18;
	[sflag:s12] =	ssyncadd.s32 $0xFFFFE000  }
0xd0: {  	[hbm4b:s18+s2] =	stream.linear.scatter [tilespmem:s11], [sflag:$0x3], $0x2000, $0x38;
	[tilespmem:$0x10400] =	vst v63  }
0xd1: {  	_ =	swait.ge [sflag:s13], $0x2000  }
0xd2: {  	s19 =	sshrl.u32 s17, $0x3;
	[sflag:s13] =	ssyncset.done $0x0  }
0xd3: {  	s18 =	sadd.s32 s3, s19;
	[sflag:s13] =	ssyncadd.s32 $0xFFFFE000  }
0xd4: {  	[tilespmem:s2], [sflag:$0x1] =	stream.linear.gather [hbm4b:s18+s2], $0x80, $0x38;
	[tilespmem:$0x10400] =	vst v63  }
0xd5: {  	_ =	swait.ge [sflag:s13], $0x2000  }
0xd6: {  	s19 =	rddreg [dreg:$0xa];
	[sflag:s13] =	ssyncset.done $0x0  }
0xd7: {  	[sflag:s13] =	ssyncadd.s32 $0xFFFFE000;
	s18 =	sadd.s32 s16, s19  }
0xd8: {  	[tilespmem:s23], [sflag:$0x1] =	stream.linear.gather [hbm4b:s18+s2], $0x80, $0x38;
	[tilespmem:$0x10400] =	vst v63  }
0xd9: {  	_ =	swait.ge [sflag:s13], $0x2000  }
0xda: {  	s19 =	rddreg [dreg:$0x9];
	[sflag:s13] =	ssyncset.done $0x0  }
0xdb: {  	[sflag:s13] =	ssyncadd.s32 $0xFFFFE000;
	s18 =	sadd.s32 s16, s19  }
0xdc: {  	[tilespmem:s24], [sflag:$0x1] =	stream.linear.gather [hbm4b:s18+s2], $0x80, $0x38;
	[tilespmem:$0x10400] =	vst v63  }
0xdd: {  	_ =	swait.ge [sflag:s13], $0x2000  }
0xde: {  	s19 =	rddreg [dreg:$0x8];
	[sflag:s13] =	ssyncset.done $0x0  }
0xdf: {  	[sflag:s13] =	ssyncadd.s32 $0xFFFFE000;
	s18 =	sadd.s32 s16, s19  }
0xe0: {  	[tilespmem:s25], [sflag:$0x1] =	stream.linear.gather [hbm4b:s18+s2], $0x80, $0x38;
	[tilespmem:$0x10400] =	vst v63  }
0xe1: {  	_ =	swait.ge [sflag:s13], $0x2000  }
0xe2: {  	s19 =	rddreg [dreg:$0x7];
	[sflag:s13] =	ssyncset.done $0x0  }
0xe3: {  	[sflag:s13] =	ssyncadd.s32 $0xFFFFE000;
	s18 =	sadd.s32 s16, s19  }
0xe4: {  	[tilespmem:s26], [sflag:$0x1] =	stream.linear.gather [hbm4b:s18+s2], $0x80, $0x38;
	[tilespmem:$0x10400] =	vst v63  }
0xe5: {  	_ =	swait.ge [sflag:s13], $0x2000  }
0xe6: {  	s19 =	rddreg [dreg:$0x6];
	[sflag:s13] =	ssyncset.done $0x0  }
0xe7: {  	[sflag:s13] =	ssyncadd.s32 $0xFFFFE000;
	s18 =	sadd.s32 s16, s19  }
0xe8: {  	[tilespmem:s28], [sflag:$0x1] =	stream.linear.gather [hbm4b:s18+s2], $0x80, $0x38;
	[tilespmem:$0x10400] =	vst v63  }
0xe9: {  	_ =	swait.ge [sflag:s13], $0x2000  }
0xea: {  	s19 =	rddreg [dreg:$0x5];
	[sflag:s13] =	ssyncset.done $0x0  }
0xeb: {  	[sflag:s13] =	ssyncadd.s32 $0xFFFFE000;
	s18 =	sadd.s32 s16, s19  }
0xec: {  	[tilespmem:s29], [sflag:$0x1] =	stream.linear.gather [hbm4b:s18+s2], $0x80, $0x38;
	[tilespmem:$0x10400] =	vst v63  }
0xed: {  	_ =	swait.ge [sflag:s13], $0x2000  }
0xee: {  	s19 =	rddreg [dreg:$0x4];
	[sflag:s13] =	ssyncset.done $0x0  }
0xef: {  	[sflag:s13] =	ssyncadd.s32 $0xFFFFE000;
	s18 =	sadd.s32 s16, s19  }
0xf0: {  	[tilespmem:s30], [sflag:$0x1] =	stream.linear.gather [hbm4b:s18+s2], $0x80, $0x38;
	[tilespmem:$0x10400] =	vst v63  }
0xf1: {  	_ =	swait.ge [sflag:s31], $0x80  }
0xf2: {  	[sflag:s31] =	ssyncset.done $0x0  }
0xf3: {  	[sflag:s31] =	ssyncadd.s32 $0xFFFFFF80  }
0xf4: {  	[tilespmem:s0], [sflag:$0x2] =	stream.indirect.gather [hbm4b:s5+s23], $0x40, s2, s23, $0xb8;
	[tilespmem:$0x10400] =	vst v63  }
0xf5: {  	_ =	swait.ge [sflag:s31], $0x80  }
0xf6: {  	[sflag:s31] =	ssyncset.done $0x0  }
0xf7: {  	[sflag:s31] =	ssyncadd.s32 $0xFFFFFF80  }
0xf8: {  	[tilespmem:s1], [sflag:$0x2] =	stream.indirect.gather [hbm4b:s5+s23], $0x40, s23, s23, $0xb8;
	[tilespmem:$0x10400] =	vst v63  }
0xf9: {  	_ =	swait.ge [sflag:s31], $0x80  }
0xfa: {  	[sflag:s31] =	ssyncset.done $0x0  }
0xfb: {  	[sflag:s31] =	ssyncadd.s32 $0xFFFFFF80  }
0xfc: {  	[tilespmem:s6], [sflag:$0x2] =	stream.indirect.gather [hbm4b:s5+s23], $0x40, s24, s23, $0xb8;
	[tilespmem:$0x10400] =	vst v63  }
0xfd: {  	_ =	swait.ge [sflag:s31], $0x80  }
0xfe: {  	[sflag:s31] =	ssyncset.done $0x0  }
0xff: {  	[sflag:s31] =	ssyncadd.s32 $0xFFFFFF80  }
0x100: {  	[tilespmem:s7], [sflag:$0x2] =	stream.indirect.gather [hbm4b:s5+s23], $0x40, s25, s23, $0xb8;
	[tilespmem:$0x10400] =	vst v63  }
0x101: {  	_ =	swait.ge [sflag:s31], $0x80  }
0x102: {  	[sflag:s31] =	ssyncset.done $0x0  }
0x103: {  	[sflag:s31] =	ssyncadd.s32 $0xFFFFFF80  }
0x104: {  	[tilespmem:s8], [sflag:$0x2] =	stream.indirect.gather [hbm4b:s5+s23], $0x40, s26, s23, $0xb8;
	[tilespmem:$0x10400] =	vst v63  }
0x105: {  	_ =	swait.ge [sflag:s31], $0x80  }
0x106: {  	[sflag:s31] =	ssyncset.done $0x0  }
0x107: {  	[sflag:s31] =	ssyncadd.s32 $0xFFFFFF80  }
0x108: {  	[tilespmem:s9], [sflag:$0x2] =	stream.indirect.gather [hbm4b:s5+s23], $0x40, s28, s23, $0xb8;
	[tilespmem:$0x10400] =	vst v63  }
0x109: {  	_ =	swait.ge [sflag:s31], $0x80  }
0x10a: {  	p0 =	sne.s32 s15, $0x5C0000;
	[sflag:s31] =	ssyncset.done $0x0  }
.Ltmp0:
0x10b: {  	[sflag:s31] =	ssyncadd.s32 $0xFFFFFF80;
	(pc) =	sbr.rel @p0 .LBB2_2-.Ltmp0, $4  }
0x10c: {  	[tilespmem:s10], [sflag:$0x2] =	stream.indirect.gather [hbm4b:s5+s23], $0x40, s29, s23, $0xb8;
	[tilespmem:$0x10400] =	vst v63  }
0x10d: {  	_ =	swait.ge [sflag:s31], $0x80  }
0x10e: {  	s15 =	sadd.s32 $0x40000, s15;
	[sflag:s31] =	ssyncset.done $0x0  }
0x10f: {  	s17 =	sadd.s32 $0x8000, s17;
	s16 =	sadd.s32 $0x1000, s16;
	[sflag:s31] =	ssyncadd.s32 $0xFFFFFF80  }
0x110: {  	[tilespmem:s11], [sflag:$0x2] =	stream.indirect.gather [hbm4b:s5+s23], $0x40, s30, s23, $0xb8;
	[tilespmem:$0x10400] =	vst v63  }
0x111: {  	_ =	swait.ge [sflag:s12], $0x2000  }
0x112: {  	[sflag:s12] =	ssyncset.done $0x0  }
0x113: {  	s15 =	rddreg [dreg:$0x12];
	[sflag:s12] =	ssyncadd.s32 $0xFFFFE000  }
0x114: {  	[hbm4b:s15+s2] =	stream.linear.scatter [tilespmem:s0], [sflag:$0x3], $0x2000, $0x38;
	[tilespmem:$0x10400] =	vst v63  }
0x115: {  	_ =	swait.ge [sflag:s12], $0x2000  }
0x116: {  	[sflag:s12] =	ssyncset.done $0x0  }
0x117: {  	s18 =	rddreg [dreg:$0x13];
	[sflag:s12] =	ssyncadd.s32 $0xFFFFE000  }
0x118: {  	[hbm4b:s18+s2] =	stream.linear.scatter [tilespmem:s1], [sflag:$0x3], $0x2000, $0x38;
	[tilespmem:$0x10400] =	vst v63  }
0x119: {  	_ =	swait.ge [sflag:s12], $0x2000  }
0x11a: {  	[sflag:s12] =	ssyncset.done $0x0  }
0x11b: {  	s19 =	rddreg [dreg:$0x14];
	[sflag:s12] =	ssyncadd.s32 $0xFFFFE000  }
0x11c: {  	[hbm4b:s19+s2] =	stream.linear.scatter [tilespmem:s6], [sflag:$0x3], $0x2000, $0x38;
	[tilespmem:$0x10400] =	vst v63  }
0x11d: {  	_ =	swait.ge [sflag:s12], $0x2000  }
0x11e: {  	[sflag:s12] =	ssyncset.done $0x0  }
0x11f: {  	s16 =	rddreg [dreg:$0x15];
	[sflag:s12] =	ssyncadd.s32 $0xFFFFE000  }
0x120: {  	[hbm4b:s16+s2] =	stream.linear.scatter [tilespmem:s7], [sflag:$0x3], $0x2000, $0x38;
	[tilespmem:$0x10400] =	vst v63  }
0x121: {  	_ =	swait.ge [sflag:s12], $0x2000  }
0x122: {  	[sflag:s12] =	ssyncset.done $0x0  }
0x123: {  	s17 =	rddreg [dreg:$0x16];
	[sflag:s12] =	ssyncadd.s32 $0xFFFFE000  }
0x124: {  	[hbm4b:s17+s2] =	stream.linear.scatter [tilespmem:s8], [sflag:$0x3], $0x2000, $0x38;
	[tilespmem:$0x10400] =	vst v63  }
0x125: {  	_ =	swait.ge [sflag:s12], $0x2000  }
0x126: {  	[sflag:s12] =	ssyncset.done $0x0  }
0x127: {  	s18 =	rddreg [dreg:$0x17];
	[sflag:s12] =	ssyncadd.s32 $0xFFFFE000  }
0x128: {  	[hbm4b:s18+s2] =	stream.linear.scatter [tilespmem:s9], [sflag:$0x3], $0x2000, $0x38;
	[tilespmem:$0x10400] =	vst v63  }
0x129: {  	_ =	swait.ge [sflag:s12], $0x2000  }
0x12a: {  	[sflag:s12] =	ssyncset.done $0x0  }
0x12b: {  	s19 =	rddreg [dreg:$0x18];
	[sflag:s12] =	ssyncadd.s32 $0xFFFFE000  }
0x12c: {  	[hbm4b:s19+s2] =	stream.linear.scatter [tilespmem:s10], [sflag:$0x3], $0x2000, $0x38;
	[tilespmem:$0x10400] =	vst v63  }
0x12d: {  	_ =	swait.ge [sflag:s12], $0x2000  }
0x12e: {  	[sflag:s12] =	ssyncset.done $0x0  }
0x12f: {  	[sflag:s12] =	ssyncadd.s32 $0xFFFFE000  }
0x130: {  	[hbm4b:s20+s2] =	stream.linear.scatter [tilespmem:s11], [sflag:$0x3], $0x2000, $0x38;
	[tilespmem:$0x10400] =	vst v63  }
0x131: {  	_ =	swait.ge [sflag:s13], $0x2000  }
0x132: {  	[sflag:s13] =	ssyncset.done $0x0  }
0x133: {  	[sflag:s13] =	ssyncadd.s32 $0xFFFFE000  }
0x134: {  	_ =	swait.ge [sflag:s13], $0x2000  }
0x135: {  	[sflag:s13] =	ssyncset.done $0x0  }
0x136: {  	[sflag:s13] =	ssyncadd.s32 $0xFFFFE000  }
0x137: {  	_ =	swait.ge [sflag:s13], $0x2000  }
0x138: {  	[sflag:s13] =	ssyncset.done $0x0  }
0x139: {  	[sflag:s13] =	ssyncadd.s32 $0xFFFFE000  }
0x13a: {  	_ =	swait.ge [sflag:s13], $0x2000  }
0x13b: {  	[sflag:s13] =	ssyncset.done $0x0  }
0x13c: {  	[sflag:s13] =	ssyncadd.s32 $0xFFFFE000  }
0x13d: {  	_ =	swait.ge [sflag:s13], $0x2000  }
0x13e: {  	[sflag:s13] =	ssyncset.done $0x0  }
0x13f: {  	[sflag:s13] =	ssyncadd.s32 $0xFFFFE000  }
0x140: {  	_ =	swait.ge [sflag:s13], $0x2000  }
0x141: {  	[sflag:s13] =	ssyncset.done $0x0  }
0x142: {  	s14 =	sadd.s32 $0x1, s14;
	[sflag:s13] =	ssyncadd.s32 $0xFFFFE000  }
0x143: {  	p0 =	sne.s32 s14, s21;
	_ =	swait.ge [sflag:s13], $0x2000  }
.Ltmp1:
0x144: {  	[sflag:s13] =	ssyncset.done $0x0;
	(pc) =	sbr.rel @p0 .LBB2_1-.Ltmp1, $4  }
0x145: {  	[sflag:s13] =	ssyncadd.s32 $0xFFFFE000  }
0x146: {  	_ =	swait.ge [sflag:s13], $0x2000  }
0x147: {  	[sflag:s13] =	ssyncset.done $0x0  }
0x148: {  	[sflag:s13] =	ssyncadd.s32 $0xFFFFE000  }
0x149: {  	_ =	sfence.sel $0x180000  }
0x14a: {  	[bflag:$0x0] =	sbarrier.arrive $0xFFFF  }
0x14b: {  	_ =	strace $0x90000047  }
0x14c: {  	s0 =	stileid.u32;
	[bflag:$0x2] =	sbarrier.arrive $0xFFFF  }
0x14d: {  	p0 =	sne.s32 s0, $0x0;
	s0 =	rddreg [dreg:$0x2]  }
0x14e: {  	s0 =	sadd.s32 @!p0 $0x100000, s0  }
0x14f: {  	[sflag:s0] =	ssyncadd.tile.s32 @!p0 $0x1;
	_ =	shalt  }
.Lfunc_end2:
_tile_overlayer_lowered:
.L_overlay_start_2:
0x150: {  	(tag) =	ssettag $0x2  }
0x151: {  	s0 =	rddreg [dreg:$0x0];
	s2 =	stileid.u32  }
0x152: {  	s1 =	rddreg [dreg:$0x1];
	p0 =	sne.s32 s2, $0x0  }
0x153: {  	s3 =	rddreg [dreg:$0x2];
	[bflag:$0x3] =	sbarrier.arrive $0xFFFF;
	s2 =	simm.s32 @!p0 $0x1C04  }
0x154: {  	[timem:s3], [sflag:s2] =	dma.local @!p0 [hbm:s0], s1  }
0x155: {  	s0 =	simm.s32 @!p0 $0x4  }
0x156: {  	_ =	swait.ge @!p0 [sflag:s0], s1  }
0x157: {  	s1 =	ssub.s32 @!p0 $0x0, s1;
	[sflag:s0] =	ssyncset.done @!p0 $0x0  }
0x158: {  	[sflag:s0] =	ssyncadd.s32 @!p0 s1  }
0x159: {  	[bflag:$0x3] =	sbarrier.arrive $0xFFFF  }
0x15a: {  	_ =	shalt  }

// kernel: sparse-core-data-format-call.cloned.1.call-start
scs
called_computation_lowered:
.L_overlay_start_0:
0x0: {  	s2 =	sld [smem:$0x3FD9]  }
0x1: {  	s3 =	sld [smem:$0x3FFE];
	_ =	sdelay $0x1  }
0x2: {  	s1 =	srdreg.scid  }
0x3: {  	s0 =	sand.u32 $0x1, s1  }
0x4: {  	s18 =	sshll.u32 s0, $0xA;
	s2 =	sadd.s32 s3, s2  }
0x5: {  	s2 =	sadd.s32 s2, s18  }
0x6: {  	[smem:$0x3FC6] =	sst s2  }
0x7: {  	_ = 	snop  }
0x8: {  	s2 =	sld [smem:$0x3FD0];
	(tm) =	ssettm $0x1  }
0x9: {  	s19 =	sld [smem:$0x3FFB];
	_ =	sdelay $0x3  }
0xa: {  	_ =	strace s19  }
0xb: {  	s3 =	sld [smem:$0x3FFC];
	_ =	sdelay $0x3  }
0xc: {  	_ =	strace s3  }
0xd: {  	s3 =	sld [smem:$0x3FFD];
	_ =	sdelay $0x3  }
0xe: {  	_ =	strace s3  }
0xf: {  	_ =	strace $0x8FFFFFFF  }
0x10: {  	s20 =	sld [smem:$0x3FDB];
	_ =	sdelay $0x1  }
0x11: {  	s4 =	simm.s32 $_scs_section_size  }
0x12: {  	s5 =	simm.s32 $_size__tile_overlayer_lowered;
	s6 =	simm.s32 $_tile_overlayer_lowered  }
0x13: {  	s23 =	simm.s32 $0x1BFF;
	s22 =	sshll.u32 s6, $0x1;
	s3 =	sadd.s32 s4, s20  }
0x14: {  	s7 =	simm.s32 $0x0;
	s21 =	sshll.u32 s5, $0x1;
	s5 =	sadd.s32 s22, s3  }
0x15: {  	[timem:s7], [sflag:s23] =	dma.local [hbm:s5], s21  }
0x16: {  	_ =	swait.ge [sflag:s23], s21  }
0x17: {  	s4 =	ssub.s32 $0x0, s21;
	[sflag:s23] =	ssyncset.done $0x0  }
0x18: {  	[sflag:s23] =	ssyncadd.s32 s4;
	_ =	sdelay $0x1  }
0x19: {  	s24 =	simm.s32 $0x1B8B  }
0x1a: {  	_ =	swait.ge [sflag:s24], $0x1  }
0x1b: {  	[sflag:s24] =	ssyncset.done $0x0  }
0x1c: {  	s26 =	simm.s32 $0x1B8E;
	s25 =	sld [smem:$0x3FFE];
	[sflag:s24] =	ssyncadd.s32 $0xFFFFFFFF  }
0x1d: {  	s27 =	simm.s32 $execute0_lowered;
	[smem:$0x3FD2] =	sst s26  }
0x1e: {  	s5 =	sshll.u32 s27, $0x1;
	_ =	strace $0x80000049;
	[dreg:$0x1] =	wrdreg $0xFFFFFFFF  }
0x1f: {  	s28 =	simm.s32 $_size_execute0_lowered;
	s3 =	sadd.s32 s3, s5;
	[dreg:$0x0] =	wrdreg $0x0  }
0x20: {  	s5 =	sshll.u32 s28, $0x1;
	[dreg:$0x2] =	wrdreg s3  }
0x21: {  	[dreg:$0x3] =	wrdreg s5  }
0x22: {  	[dreg:$0x4] =	wrdreg $0xC0  }
0x23: {  	_ =	task [dreg:s7], $0x5FFFF  }
0x24: {  	[dreg:$0x1] =	wrdreg $0xFFFFFFFF  }
0x25: {  	[dreg:$0x0] =	wrdreg $0x60  }
0x26: {  	[dreg:$0x2] =	wrdreg s25  }
0x27: {  	[dreg:$0x3] =	wrdreg s2  }
0x28: {  	[dreg:$0x4] =	wrdreg $0x9  }
0x29: {  	_ =	task.clear_ibuf [dreg:s7], $0x5FFFF;
	_ =	strace $0x90000049  }
0x2a: {  	s29 =	simm.s32 $0x9;
	_ =	strace $0x8000004B  }
0x2b: {  	_ =	swait.ge [sflag:s29], $0x1  }
0x2c: {  	[sflag:s29] =	ssyncadd.s32 $0xFFFFFFFF  }
0x2d: {  	_ =	strace $0x9000004B  }
0x2e: {  	_ =	sfence  }
0x2f: {  	s30 =	sld [smem:$0x0];
	_ =	sdelay $0x2  }
0x30: {  	s31 =	sshll.u32 s1, $0xD;
	s1 =	sshrl.u32 s1, $0x2  }
0x31: {  	s3 =	sand.u32 $0x4000, s31;
	s1 =	sadd.s32 s1, s30  }
0x32: {  	s0 =	sor.u32 s3, s0;
	s1 =	sshll.u32 s1, $0x11  }
0x33: {  	s0 =	sor.u32 s1, s0  }
0x34: {  	s0 =	sadd.s32 $0x8F2B, s0  }
0x35: {  	[sflag:s0] =	ssyncadd.remote.s32 $0x1  }
0x36: {  	_ =	sfence.sel $0xFFFF  }
0x37: {  	[dreg:$0x0] =	wrdreg $0xFFFFFFFF;
	(pc) =	sbr.abs _section_cstart, $3  }
0x38: {  	[dreg:$0x1] =	wrdreg $0xFFFFFFFF  }
0x39: {  	_ =	task.clear_ibuf [dreg:s7], $0x2FFFF;
	_ =	strace $0x9FFFFFFF  }
0x3a: {  	(tm) =	ssettm $0x7FFFFFFF  }
0x3b: {  	_ =	shalt  }
tec
execute0_lowered:
.L_overlay_start_1:
0x0: {  	(tag) =	ssettag $0x1  }
0x1: {  	s0 =	srdreg.scid  }
0x2: {  	s1 =	sshll.u32 s0, $0x4  }
0x3: {  	s5 =	rddreg [dreg:$0x0];
	s0 =	stileid.u32;
	s1 =	sand.u32 $0x10, s1  }
0x4: {  	s3 =	rddreg [dreg:$0x1];
	s31 =	simm.s32 $0x2;
	s4 =	sor.u32 s0, s1  }
0x5: {  	s13 =	simm.s32 $0x0;
	s9 =	simm.s32 $0x400;
	s2 =	sshll.u32 s4, $0x7  }
0x6: {  	s10 =	simm.s32 $0x8000;
	s14 =	simm.s32 $0x0;
	s6 =	ssub.s32 $0x1000, s2  }
0x7: {  	s1 =	rddreg [dreg:$0x2];
	_ =	strace $0x8000004A;
	s7 =	sand.u32 $0xF80, s6  }
0x8: {  	s4 =	sshll.u32 s4, $0xB;
	p0 =	sne.s32 s7, $0x0;
	s7 =	simm.s32 $0x1  }
.Ltmp0:
0x9: {  	s6 =	sshrl.u32 s6, $0xC;
	s7 =	simm.s32 @!p0 $0x0;
	(pc) =	sbr.rel .LBB1_1-.Ltmp0, $4  }
0xa: {  	s8 =	sadd.s32 s4, s5;
	s4 =	simm.s32 $0x1;
	s30 =	sadd.s32 s7, s6  }
0xb: {  	s11 =	simm.s32 $0x0;
	[sflag:s4] =	ssyncpa.u1 $0x0;
	s5 =	smul.u32 $0x64, s30  }
0xc: {  	s12 =	simm.s32 $0x0;
	[sflag:s31] =	ssyncpa.u1 $0x0;
	p0 =	por $0x0, $0x0  }
0xd: {  	s6 =	sadd.s32 $0x800, s8;
	s7 =	sadd.s32 $0x10800, s8;
	s8 =	sor.u32 $0x1, s5  }
.LBB1_7:
0xe: {  	s15 =	sadd.s32 $0x2, s11  }
0xf: {  	p2 =	sgt.s32 s15, $0xC7  }
0x10: {  	s15 =	simm.s32 @p2 $0x0;
	p2 =	sne.s32 s12, s8  }
.Ltmp1:
0x11: {  	p1 =	slt.u32 s12, $0x2;
	(pc) =	sbr.rel @!p2 .LBB1_8-.Ltmp1, $4  }
0x12: {  	s13 =	simm.s32 @!p1 $0x2  }
0x13: {  	s16 =	sadd.s32 $0x1, s12;
	s14 =	smov.u32 s11;
	_ =	swait.ge @!p1 [sflag:s13], $0x4000  }
0x14: {  	p0 =	por !p0, !p0;
	s12 =	smov.u32 s16;
	[sflag:s13] =	ssyncset.done @!p1 $0x0  }
0x15: {  	s11 =	smov.u32 s15;
	[sflag:s13] =	ssyncadd.s32 @!p1 $0xFFFFC000;
	s13 =	smov.u32 s2  }
.LBB1_1:
0x16: {  	p1 =	sge.u32 s12, s5  }
0x17: {  	s15 =	sxor.u32 @!p1 $0xFFFFFFFF, s12  }
0x18: {  	s16 =	sshll.u32 @!p1 s11, $0x10;
	s18 =	simm.s32 @!p1 $0x40;
	s15 =	sshll.u32 @!p1 s15, $0xE  }
0x19: {  	s19 =	simm.s32 @!p1 $0x80;
	s17 =	sadd.s32 @!p1 s16, s6;
	s15 =	sand.u32 @!p1 $0x4000, s15  }
0x1a: {  	[tilespmem:s15], [sflag:$0x1] =	stream.strided.gather @!p1 [hbm4b:s17+s18], $0x2000, s19, s18, $0x38;
	[tilespmem:$0x10100] =	vst v63  }
0x1b: {  	s31 =	sadd.s32 $0xFFFFFFFF, s12;
	s16 =	sadd.s32 @!p1 s16, s7;
	s15 =	sor.u32 @!p1 $0x2000, s15  }
0x1c: {  	[tilespmem:s15], [sflag:$0x1] =	stream.strided.gather @!p1 [hbm4b:s16+s18], $0x2000, s19, s18, $0x38;
	[tilespmem:$0x10100] =	vst v63  }
0x1d: {  	p1 =	sge.u32 s31, s5  }
.Ltmp2:
0x1e: {  	_ = 	snop;
	(pc) =	sbr.rel @p1 .LBB1_7-.Ltmp2, $1  }
0x1f: {  	_ =	sdelay $0x3  }
0x20: {  	s15 =	simm.s32 $0x1;
	s17 =	sand.u32 $0x1, s12  }
0x21: {  	_ =	swait.ge [sflag:s4], $0x4000;
	s15 =	simm.s32 @!p0 $0x0;
	s17 =	smul.u32 $0x10200, s17  }
0x22: {  	p2 =	por $0x1, $0x1;
	[sflag:s4] =	ssyncset.done $0x0;
	s16 =	smul.u32 $0x10200, s15  }
0x23: {  	s18 =	sshll.u32 s15, $0x10;
	[sflag:s4] =	ssyncadd.s32 $0xFFFFC000;
	s30 =	sshrl.u32 s17, $0x2  }
0x24: {  	s31 =	sshrl.u32 s18, $0x2;
	s18 =	simm.s32 $0x0;
	s16 =	sshrl.u32 s16, $0x2  }
0x25: {  	s15 =	sor.u32 $0x8000, s30;
	s17 =	sadd.s32 $0x20, s31;
	s16 =	sor.u32 $0x8000, s16  }
.LBB1_3:
0x26: {  	s19 =	sshll.u32 s18, $0xD  }
0x27: {  	s19 =	sand.u32 $0x3FFFE000, s19  }
0x28: {  	s21 =	sadd.s32 s19, s17  }
0x29: {  	s31 =	smul.u32 $0x8100, s18;
	v3 =	vld [tilespmem:s21+$0x10]  }
0x2a: {  	v1 =	vld [tilespmem:s21+$0xFFFFFFF0]  }
0x2b: {  	s18 =	sshra.s32 s31, $0x2;
	v0 =	vld [tilespmem:s21+$0x0]  }
0x2c: {  	s18 =	sadd.s32 s18, s16;
	v2 =	vld [tilespmem:s21+$0xFFFFFFE0]  }
0x2d: {  	s19 =	sadd.s32 $0x0, s18  }
0x2e: {  	p1 =	por p2, p2;
	s20 =	simm.s32 $0x4;
	s21 =	sadd.s32 $0x40, s21;
	[tilespmem:s19+$0x1830 ss:$0x81] =	vst.msk $0xffff, v3  }
.LBB1_4:
0x2f: {  	v3 =	vld [tilespmem:s21+$0x10];
	p2 =	sne.s32 s20, $0x1FC;
	[tilespmem:s19+$0x810 ss:$0x81] =	vst.msk $0xffff, v1;
	s22 =	smov.u32 s20;
	s20 =	sadd.s32 $0x4, s20  }
.Ltmp3:
0x30: {  	v1 =	vld [tilespmem:s21+$0xFFFFFFF0];
	[tilespmem:s19+$0x1020 ss:$0x81] =	vst.msk $0xffff, v0;
	(pc) =	sbr.rel @p2 .LBB1_4-.Ltmp3, $4  }
0x31: {  	v0 =	vld [tilespmem:s21+$0x0];
	[tilespmem:s19+$0x0 ss:$0x81] =	vst.msk $0xffff, v2  }
0x32: {  	s19 =	sshra.s32 s22, $0x2;
	v2 =	vld [tilespmem:s21+$0xFFFFFFE0]  }
0x33: {  	s19 =	sadd.s32 s19, s18  }
0x34: {  	s21 =	sadd.s32 $0x40, s21;
	[tilespmem:s19+$0x1830 ss:$0x81] =	vst.msk $0xffff, v3  }
.Ltmp4:
0x35: {  	(pc) =	sbr.rel @p1 .LBB1_3-.Ltmp4, $4  }
0x36: {  	_ = 	snop  }
0x37: {  	[tilespmem:s19+$0x810 ss:$0x81] =	vst.msk $0xffff, v1  }
0x38: {  	[tilespmem:s19+$0x1020 ss:$0x81] =	vst.msk $0xffff, v0  }
0x39: {  	s18 =	simm.s32 $0x1;
	p2 =	por $0x0, $0x0;
	[tilespmem:s19+$0x0 ss:$0x81] =	vst.msk $0xffff, v2  }
.Ltmp5:
0x3a: {  	(pc) =	sbr.rel .LBB1_7-.Ltmp5, $4  }
0x3b: {  	s14 =	sshll.u32 s14, $0xF  }
0x3c: {  	s14 =	sadd.s32 s3, s14  }
0x3d: {  	s13 =	sadd.s32 s13, s14  }
0x3e: {  	[hbm4b:s13+s9] =	stream.strided.scatter [tilespmem:s15], [sflag:$0x2], $0x4000, s10, s9, $0x20;
	[tilespmem:$0x10100] =	vst v63  }
.LBB1_8:
0x3f: {  	_ =	sfence.sel $0x180000  }
0x40: {  	s2 =	simm.s32 $0x1;
	[bflag:$0x0] =	sbarrier.arrive $0xFFFF  }
0x41: {  	s31 =	simm.s32 $0x2;
	[sflag:s2] =	ssyncpa.u1 $0x1  }
0x42: {  	[sflag:s31] =	ssyncpa.u1 $0x1  }
0x43: {  	p0 =	sne.s32 s0, $0x0;
	_ =	strace $0x9000004A  }
0x44: {  	s0 =	sadd.s32 @!p0 $0x100000, s1;
	[bflag:$0x2] =	sbarrier.arrive $0xFFFF  }
0x45: {  	[sflag:s0] =	ssyncadd.tile.s32 @!p0 $0x1;
	_ =	shalt  }
.Lfunc_end1:
_tile_overlayer_lowered:
.L_overlay_start_2:
0x46: {  	(tag) =	ssettag $0x2  }
0x47: {  	s0 =	rddreg [dreg:$0x0];
	s2 =	stileid.u32  }
0x48: {  	s1 =	rddreg [dreg:$0x1];
	p0 =	sne.s32 s2, $0x0  }
0x49: {  	s3 =	rddreg [dreg:$0x2];
	[bflag:$0x3] =	sbarrier.arrive $0xFFFF;
	s2 =	simm.s32 @!p0 $0x1C01  }
0x4a: {  	[timem:s3], [sflag:s2] =	dma.local @!p0 [hbm:s0], s1  }
0x4b: {  	s0 =	simm.s32 @!p0 $0x1  }
0x4c: {  	_ =	swait.ge @!p0 [sflag:s0], s1  }
0x4d: {  	s1 =	ssub.s32 @!p0 $0x0, s1;
	[sflag:s0] =	ssyncset.done @!p0 $0x0  }
0x4e: {  	[sflag:s0] =	ssyncadd.s32 @!p0 s1  }
0x4f: {  	[bflag:$0x3] =	sbarrier.arrive $0xFFFF  }
0x50: {  	_ =	shalt  }

</sc_bundles>
